<compile_context>
chip_gen: v7x
topology: tpu7x:2x2x1
jax: 0.10.2.dev20260603
libtpu: 0.0.44.dev20260713+nightly
codegen_flags: <defaults>
</compile_context>

<pallas_src>
import functools

import jax
import jax.numpy as jnp
from jax import lax
from jax.experimental import pallas as pl
from jax.experimental.pallas import tpu as pltpu
from jax.experimental.pallas import tpu_sc as plsc

B = 16384
D = 128
H = 1024

CHUNKS = (4096, 12288)
MLP_BB = (2048, 4096)

_INFO = plsc.get_sparse_core_info()
_NC, _NS = _INFO.num_cores, _INFO.num_subcores
_NW = _NC * _NS
_CH = 128

_sc_mesh = plsc.VectorSubcoreMesh(core_axis_name="c", subcore_axis_name="s")


def _make_sc_gather(start, rows):
    bpw = rows // _NW
    ng = bpw // _CH

    @functools.partial(
        pl.kernel,
        mesh=_sc_mesh,
        out_type=[
            jax.ShapeDtypeStruct((rows, D), jnp.float32),
            jax.ShapeDtypeStruct((rows, D), jnp.float32),
        ],
        scratch_types=[
            pltpu.VMEM((bpw,), jnp.int32),
            pltpu.VMEM((bpw,), jnp.int32),
            pltpu.VMEM((bpw, D), jnp.float32),
            pltpu.VMEM((bpw, D), jnp.float32),
            pltpu.SemaphoreType.DMA,
            pltpu.SemaphoreType.DMA,
            pltpu.SemaphoreType.DMA,
        ],
    )
    def sc_gather(xu_hbm, xm_hbm, ut_hbm, mt_hbm, u_out, m_out,
                  idxu_v, idxm_v, urows_v, mrows_v, sem_u, sem_m, sem_w):
        wid = lax.axis_index("s") * _NC + lax.axis_index("c")
        base = wid * bpw

        pltpu.sync_copy(xu_hbm.at[pl.ds(base, bpw)], idxu_v)
        pltpu.sync_copy(xm_hbm.at[pl.ds(base, bpw)], idxm_v)
        gu = [
            pltpu.async_copy(
                ut_hbm.at[idxu_v.at[pl.ds(j * _CH, _CH)]],
                urows_v.at[pl.ds(j * _CH, _CH)], sem_u,
            )
            for j in range(ng)
        ]
        gm = [
            pltpu.async_copy(
                mt_hbm.at[idxm_v.at[pl.ds(j * _CH, _CH)]],
                mrows_v.at[pl.ds(j * _CH, _CH)], sem_m,
            )
            for j in range(ng)
        ]
        for cp in gu:
            cp.wait()
        wu = pltpu.async_copy(urows_v, u_out.at[pl.ds(base, bpw)], sem_w)
        for cp in gm:
            cp.wait()
        wm = pltpu.async_copy(mrows_v, m_out.at[pl.ds(base, bpw)], sem_w)
        wu.wait()
        wm.wait()

    return sc_gather


def _make_mlp_body(bb):
    def _mlp_body(u_ref, m_ref, w1t_ref, b1_ref, w2_ref, b2_ref, out_ref,
                  acc_ref=None):
        del acc_ref
        ut = u_ref[...].astype(jnp.bfloat16).T
        mt = m_ref[...].astype(jnp.bfloat16).T
        w1t = w1t_ref[...]
        hT = (
            jnp.dot(w1t[:, :D], ut, preferred_element_type=jnp.float32)
            + jnp.dot(w1t[:, D:], mt, preferred_element_type=jnp.float32)
            + b1_ref[...]
        )
        hT = jnp.maximum(hT, 0.0)
        g = jnp.dot(w2_ref[...], hT, preferred_element_type=jnp.float32)
        out_ref[...] = g.reshape(bb // 128, 128) + b2_ref[0, 0]
    return _mlp_body


def _mlp_chunk(start, rows, bb, u, m, w1t, b1r, w2r, b2r, acc=None):
    bbase = start // bb
    body = _make_mlp_body(bb)
    wrapped = body if acc is None else (
        lambda u_r, m_r, w_r, b1_r, w2_r, b2_r, a_r, o_r:
            body(u_r, m_r, w_r, b1_r, w2_r, b2_r, o_r, a_r)
    )
    in_specs = [
        pl.BlockSpec((bb, D), lambda i: (i, 0)),
        pl.BlockSpec((bb, D), lambda i: (i, 0)),
        pl.BlockSpec((H, 2 * D), lambda i: (0, 0)),
        pl.BlockSpec((H, 1), lambda i: (0, 0)),
        pl.BlockSpec((1, H), lambda i: (0, 0)),
        pl.BlockSpec((1, 1), lambda i: (0, 0)),
    ]
    args = [u, m, w1t, b1r, w2r, b2r]
    aliases = {}
    if acc is not None:
        in_specs.append(pl.BlockSpec(memory_space=pl.ANY))
        args.append(acc)
        aliases = {6: 0}
    return pl.pallas_call(
        wrapped,
        grid=(rows // bb,),
        in_specs=in_specs,
        out_specs=pl.BlockSpec(
            (bb // 128, 128), lambda i, bbase=bbase: (bbase + i, 0)
        ),
        out_shape=jax.ShapeDtypeStruct((B // 128, 128), jnp.float32),
        input_output_aliases=aliases,
    )(*args)


def kernel(X, user_table, movie_table, W1, b1, W2, b2):
    x32 = X.astype(jnp.int32)
    w1t = W1.T.astype(jnp.bfloat16)
    b1r = b1.reshape(H, 1)
    w2r = W2.reshape(1, H)
    b2r = b2.reshape(1, 1)

    acc = None
    start = 0
    for rows, bb in zip(CHUNKS, MLP_BB):
        u_c, m_c = _make_sc_gather(start, rows)(
            x32[start:start + rows, 0], x32[start:start + rows, 1],
            user_table, movie_table,
        )
        acc = _mlp_chunk(start, rows, bb, u_c, m_c, w1t, b1r, w2r, b2r, acc)
        start += rows
    return acc.reshape(B, 1)

# --- scband reference (transcript-rebuilt; emitter-appended) ---
"""Pipeline reference for scband-ann-14482629722492 (READ-ONLY COPY).

The authoritative reference and input builder live on the scoring server;
editing this copy changes nothing except your own understanding.
"""

import jax, jax.numpy as jnp
import numpy as np

U_DIM = 100000
M_DIM = 1000000
EMBED_DIM = 128
BATCH = 16384
HIDDEN = 1024

def setup_inputs(seed: int = 0) -> dict:
    key = jax.random.key(seed)
    k1, k2, k3, k4, k5, k6, k7 = jax.random.split(key, 7)
    # index values must be valid for both user table (100k rows) and movie table (1M rows)
    X = jax.random.randint(k1, (BATCH, 2), 0, U_DIM, dtype=jnp.int64 if jax.config.read('jax_enable_x64') else jnp.int32)
    user_table = jax.random.normal(k2, (U_DIM, EMBED_DIM), dtype=jnp.float32)
    movie_table = jax.random.normal(k3, (M_DIM, EMBED_DIM), dtype=jnp.float32)
    W1 = jax.random.normal(k4, (2 * EMBED_DIM, HIDDEN), dtype=jnp.float32) * (1.0 / np.sqrt(2 * EMBED_DIM))
    b1 = jnp.zeros((HIDDEN,), dtype=jnp.float32)
    W2 = jax.random.normal(k5, (HIDDEN, 1), dtype=jnp.float32) * (1.0 / np.sqrt(HIDDEN))
    b2 = jnp.zeros((1,), dtype=jnp.float32)
    return {"X": X, "user_table": user_table, "movie_table": movie_table, "W1": W1, "b1": b1, "W2": W2, "b2": b2}

def reference(X, user_table, movie_table, W1, b1, W2, b2):
    u_embed = jnp.take(user_table, X[:, 0], axis=0)
    m_embed = jnp.take(movie_table, X[:, 1], axis=0)
    output = jnp.concatenate((u_embed, m_embed), axis=1)
    output = jnp.dot(output, W1) + b1
    output = jax.nn.relu(output)
    output = jnp.dot(output, W2) + b2
    return output

if __name__ == "__main__":
    import jax
    _d = setup_inputs()
    print(jax.jit(kernel)(*tuple(_d.values())))

</pallas_src>

<mosaic_0001>
#map = affine_map<(d0, d1) -> (0)>
#map1 = affine_map<(d0, d1) -> (0, 0)>
module attributes {stable_mosaic.version = 14 : i64} {
  func.func @sc_gather(%arg0: i32, %arg1: i32, %arg2: memref<4096xi32, #tpu.memory_space<hbm>>, %arg3: memref<4096xi32, #tpu.memory_space<hbm>>, %arg4: memref<100000x128xf32, #tpu.memory_space<hbm>>, %arg5: memref<1000000x128xf32, #tpu.memory_space<hbm>>, %arg6: memref<4096x128xf32, #tpu.memory_space<hbm>>, %arg7: memref<4096x128xf32, #tpu.memory_space<hbm>>, %arg8: memref<128xi32, #tpu.memory_space<vmem>>, %arg9: memref<128xi32, #tpu.memory_space<vmem>>, %arg10: memref<128x128xf32, #tpu.memory_space<vmem>>, %arg11: memref<128x128xf32, #tpu.memory_space<vmem>>, %arg12: memref<!tpu.dma_semaphore, #tpu.memory_space<semaphore_mem>>, %arg13: memref<!tpu.dma_semaphore, #tpu.memory_space<semaphore_mem>>, %arg14: memref<!tpu.dma_semaphore, #tpu.memory_space<semaphore_mem>>) attributes {dimension_semantics = [#tpu.dimension_semantics<core_parallel>, #tpu.dimension_semantics<subcore_parallel>], iteration_bounds = array<i64: 2, 16>, scalar_prefetch = 0 : i64, scratch_operands = 7 : i64, tpu.core_type = #tpu.core_type<sc_vector_subcore>, window_params = [{transform_indices = #map}, {transform_indices = #map}, {transform_indices = #map1}, {transform_indices = #map1}, {transform_indices = #map1}, {transform_indices = #map1}]} {
    %mul3A = arith.constant 2 : i32
    %mul3A_0 = arith.muli %arg1, %mul3A : i32
    %add3A = arith.addi %mul3A_0, %arg0 : i32
    %mul3A_1 = arith.constant 128 : i32
    %mul3A_2 = arith.muli %add3A, %mul3A_1 : i32
    "tpu.region"() ({
      %run_scoped3A = tpu.sem_alloc : memref<!tpu.dma_semaphore, #tpu.memory_space<semaphore_mem>>
      %dma_start3A_49 = tpu.memref_slice %arg2[%mul3A_2] : memref<4096xi32, #tpu.memory_space<hbm>> -> memref<128xi32, #tpu.memory_space<hbm>>
      %dma_start3A_50 = tpu.memref_slice %arg2[%mul3A_2] : memref<4096xi32, #tpu.memory_space<hbm>> -> memref<128xi32, #tpu.memory_space<hbm>>
      tpu.enqueue_dma source(%dma_start3A_50 : memref<128xi32, #tpu.memory_space<hbm>>) target(%arg8 : memref<128xi32, #tpu.memory_space<vmem>>) target_semaphore(%run_scoped3A : memref<!tpu.dma_semaphore, #tpu.memory_space<semaphore_mem>>)
      %dma_wait3A_51 = tpu.memref_slice %arg2[%mul3A_2] : memref<4096xi32, #tpu.memory_space<hbm>> -> memref<128xi32, #tpu.memory_space<hbm>>
      %dma_wait3A_52 = tpu.memref_slice %arg2[%mul3A_2] : memref<4096xi32, #tpu.memory_space<hbm>> -> memref<128xi32, #tpu.memory_space<hbm>>
      tpu.wait_dma2 semaphore(%run_scoped3A : memref<!tpu.dma_semaphore, #tpu.memory_space<semaphore_mem>>) src(%dma_wait3A_52 : memref<128xi32, #tpu.memory_space<hbm>>) dst(%arg8 : memref<128xi32, #tpu.memory_space<vmem>>)
      tpu.yield
    }) : () -> ()
    "tpu.region"() ({
      %run_scoped3A = tpu.sem_alloc : memref<!tpu.dma_semaphore, #tpu.memory_space<semaphore_mem>>
      %dma_start3A_49 = tpu.memref_slice %arg3[%mul3A_2] : memref<4096xi32, #tpu.memory_space<hbm>> -> memref<128xi32, #tpu.memory_space<hbm>>
      %dma_start3A_50 = tpu.memref_slice %arg3[%mul3A_2] : memref<4096xi32, #tpu.memory_space<hbm>> -> memref<128xi32, #tpu.memory_space<hbm>>
      tpu.enqueue_dma source(%dma_start3A_50 : memref<128xi32, #tpu.memory_space<hbm>>) target(%arg9 : memref<128xi32, #tpu.memory_space<vmem>>) target_semaphore(%run_scoped3A : memref<!tpu.dma_semaphore, #tpu.memory_space<semaphore_mem>>)
      %dma_wait3A_51 = tpu.memref_slice %arg3[%mul3A_2] : memref<4096xi32, #tpu.memory_space<hbm>> -> memref<128xi32, #tpu.memory_space<hbm>>
      %dma_wait3A_52 = tpu.memref_slice %arg3[%mul3A_2] : memref<4096xi32, #tpu.memory_space<hbm>> -> memref<128xi32, #tpu.memory_space<hbm>>
      tpu.wait_dma2 semaphore(%run_scoped3A : memref<!tpu.dma_semaphore, #tpu.memory_space<semaphore_mem>>) src(%dma_wait3A_52 : memref<128xi32, #tpu.memory_space<hbm>>) dst(%arg9 : memref<128xi32, #tpu.memory_space<vmem>>)
      tpu.yield
    }) : () -> ()
    %dma_start3A = arith.constant 0 : i32
    %dma_start3A_3 = arith.constant 0 : i32
    %dma_start3A_4 = tpu.memref_slice %arg10[%dma_start3A, %dma_start3A_3] : memref<128x128xf32, #tpu.memory_space<vmem>> -> memref<128x128xf32, #tpu.memory_space<vmem>>
    %dma_start3A_5 = arith.constant 0 : i32
    %dma_start3A_6 = tpu.memref_slice %arg8[%dma_start3A_5] : memref<128xi32, #tpu.memory_space<vmem>> -> memref<128xi32, #tpu.memory_space<vmem>>
    %dma_start3A_7 = arith.constant 0 : i32
    %dma_start3A_8 = arith.constant 0 : i32
    %dma_start3A_9 = tpu.memref_slice %arg4[%dma_start3A_7, %dma_start3A_8] : memref<100000x128xf32, #tpu.memory_space<hbm>> -> memref<100000x128xf32, #tpu.memory_space<hbm>>
    tpu.enqueue_indirect_dma source(%dma_start3A_9 : memref<100000x128xf32, #tpu.memory_space<hbm>>) target(%dma_start3A_4 : memref<128x128xf32, #tpu.memory_space<vmem>>) offsets(%dma_start3A_6 : memref<128xi32, #tpu.memory_space<vmem>>) semaphore(%arg12 : memref<!tpu.dma_semaphore, #tpu.memory_space<semaphore_mem>>)
    %dma_start3A_10 = arith.constant 0 : i32
    %dma_start3A_11 = arith.constant 0 : i32
    %dma_start3A_12 = tpu.memref_slice %arg11[%dma_start3A_10, %dma_start3A_11] : memref<128x128xf32, #tpu.memory_space<vmem>> -> memref<128x128xf32, #tpu.memory_space<vmem>>
    %dma_start3A_13 = arith.constant 0 : i32
    %dma_start3A_14 = tpu.memref_slice %arg9[%dma_start3A_13] : memref<128xi32, #tpu.memory_space<vmem>> -> memref<128xi32, #tpu.memory_space<vmem>>
    %dma_start3A_15 = arith.constant 0 : i32
    %dma_start3A_16 = arith.constant 0 : i32
    %dma_start3A_17 = tpu.memref_slice %arg5[%dma_start3A_15, %dma_start3A_16] : memref<1000000x128xf32, #tpu.memory_space<hbm>> -> memref<1000000x128xf32, #tpu.memory_space<hbm>>
    tpu.enqueue_indirect_dma source(%dma_start3A_17 : memref<1000000x128xf32, #tpu.memory_space<hbm>>) target(%dma_start3A_12 : memref<128x128xf32, #tpu.memory_space<vmem>>) offsets(%dma_start3A_14 : memref<128xi32, #tpu.memory_space<vmem>>) semaphore(%arg13 : memref<!tpu.dma_semaphore, #tpu.memory_space<semaphore_mem>>)
    %dma_wait3A = arith.constant 0 : i32
    %dma_wait3A_18 = arith.constant 0 : i32
    %dma_wait3A_19 = tpu.memref_slice %arg10[%dma_wait3A, %dma_wait3A_18] : memref<128x128xf32, #tpu.memory_space<vmem>> -> memref<128x128xf32, #tpu.memory_space<vmem>>
    %dma_wait3A_20 = arith.constant 0 : i32
    %dma_wait3A_21 = tpu.memref_slice %arg8[%dma_wait3A_20] : memref<128xi32, #tpu.memory_space<vmem>> -> memref<128xi32, #tpu.memory_space<vmem>>
    %dma_wait3A_22 = arith.constant 0 : i32
    %dma_wait3A_23 = arith.constant 0 : i32
    %dma_wait3A_24 = tpu.memref_slice %arg4[%dma_wait3A_22, %dma_wait3A_23] : memref<100000x128xf32, #tpu.memory_space<hbm>> -> memref<100000x128xf32, #tpu.memory_space<hbm>>
    tpu.wait_indirect_dma semaphore(%arg12 : memref<!tpu.dma_semaphore, #tpu.memory_space<semaphore_mem>>) src(%dma_wait3A_24 : memref<100000x128xf32, #tpu.memory_space<hbm>>) dst(%dma_wait3A_19 : memref<128x128xf32, #tpu.memory_space<vmem>>)
    %dma_start3A_25 = arith.constant 0 : i32
    %dma_start3A_26 = tpu.memref_slice %arg6[%mul3A_2, %dma_start3A_25] : memref<4096x128xf32, #tpu.memory_space<hbm>> -> memref<128x128xf32, #tpu.memory_space<hbm>>
    %dma_start3A_27 = arith.constant 0 : i32
    %dma_start3A_28 = tpu.memref_slice %arg6[%mul3A_2, %dma_start3A_27] : memref<4096x128xf32, #tpu.memory_space<hbm>> -> memref<128x128xf32, #tpu.memory_space<hbm>>
    tpu.enqueue_dma source(%arg10 : memref<128x128xf32, #tpu.memory_space<vmem>>) target(%dma_start3A_28 : memref<128x128xf32, #tpu.memory_space<hbm>>) target_semaphore(%arg14 : memref<!tpu.dma_semaphore, #tpu.memory_space<semaphore_mem>>)
    %dma_wait3A_29 = arith.constant 0 : i32
    %dma_wait3A_30 = arith.constant 0 : i32
    %dma_wait3A_31 = tpu.memref_slice %arg11[%dma_wait3A_29, %dma_wait3A_30] : memref<128x128xf32, #tpu.memory_space<vmem>> -> memref<128x128xf32, #tpu.memory_space<vmem>>
    %dma_wait3A_32 = arith.constant 0 : i32
    %dma_wait3A_33 = tpu.memref_slice %arg9[%dma_wait3A_32] : memref<128xi32, #tpu.memory_space<vmem>> -> memref<128xi32, #tpu.memory_space<vmem>>
    %dma_wait3A_34 = arith.constant 0 : i32
    %dma_wait3A_35 = arith.constant 0 : i32
    %dma_wait3A_36 = tpu.memref_slice %arg5[%dma_wait3A_34, %dma_wait3A_35] : memref<1000000x128xf32, #tpu.memory_space<hbm>> -> memref<1000000x128xf32, #tpu.memory_space<hbm>>
    tpu.wait_indirect_dma semaphore(%arg13 : memref<!tpu.dma_semaphore, #tpu.memory_space<semaphore_mem>>) src(%dma_wait3A_36 : memref<1000000x128xf32, #tpu.memory_space<hbm>>) dst(%dma_wait3A_31 : memref<128x128xf32, #tpu.memory_space<vmem>>)
    %dma_start3A_37 = arith.constant 0 : i32
    %dma_start3A_38 = tpu.memref_slice %arg7[%mul3A_2, %dma_start3A_37] : memref<4096x128xf32, #tpu.memory_space<hbm>> -> memref<128x128xf32, #tpu.memory_space<hbm>>
    %dma_start3A_39 = arith.constant 0 : i32
    %dma_start3A_40 = tpu.memref_slice %arg7[%mul3A_2, %dma_start3A_39] : memref<4096x128xf32, #tpu.memory_space<hbm>> -> memref<128x128xf32, #tpu.memory_space<hbm>>
    tpu.enqueue_dma source(%arg11 : memref<128x128xf32, #tpu.memory_space<vmem>>) target(%dma_start3A_40 : memref<128x128xf32, #tpu.memory_space<hbm>>) target_semaphore(%arg14 : memref<!tpu.dma_semaphore, #tpu.memory_space<semaphore_mem>>)
    %dma_wait3A_41 = arith.constant 0 : i32
    %dma_wait3A_42 = tpu.memref_slice %arg6[%mul3A_2, %dma_wait3A_41] : memref<4096x128xf32, #tpu.memory_space<hbm>> -> memref<128x128xf32, #tpu.memory_space<hbm>>
    %dma_wait3A_43 = arith.constant 0 : i32
    %dma_wait3A_44 = tpu.memref_slice %arg6[%mul3A_2, %dma_wait3A_43] : memref<4096x128xf32, #tpu.memory_space<hbm>> -> memref<128x128xf32, #tpu.memory_space<hbm>>
    tpu.wait_dma2 semaphore(%arg14 : memref<!tpu.dma_semaphore, #tpu.memory_space<semaphore_mem>>) src(%arg10 : memref<128x128xf32, #tpu.memory_space<vmem>>) dst(%dma_wait3A_44 : memref<128x128xf32, #tpu.memory_space<hbm>>)
    %dma_wait3A_45 = arith.constant 0 : i32
    %dma_wait3A_46 = tpu.memref_slice %arg7[%mul3A_2, %dma_wait3A_45] : memref<4096x128xf32, #tpu.memory_space<hbm>> -> memref<128x128xf32, #tpu.memory_space<hbm>>
    %dma_wait3A_47 = arith.constant 0 : i32
    %dma_wait3A_48 = tpu.memref_slice %arg7[%mul3A_2, %dma_wait3A_47] : memref<4096x128xf32, #tpu.memory_space<hbm>> -> memref<128x128xf32, #tpu.memory_space<hbm>>
    tpu.wait_dma2 semaphore(%arg14 : memref<!tpu.dma_semaphore, #tpu.memory_space<semaphore_mem>>) src(%arg11 : memref<128x128xf32, #tpu.memory_space<vmem>>) dst(%dma_wait3A_48 : memref<128x128xf32, #tpu.memory_space<hbm>>)
    return
  }
}

#map = affine_map<(d0, d1) -> (0)>
#map1 = affine_map<(d0, d1) -> (0, 0)>
module attributes {stable_mosaic.version = 14 : i64} {
  func.func @sc_gather(%arg0: i32, %arg1: i32, %arg2: memref<12288xi32, #tpu.memory_space<hbm>>, %arg3: memref<12288xi32, #tpu.memory_space<hbm>>, %arg4: memref<100000x128xf32, #tpu.memory_space<hbm>>, %arg5: memref<1000000x128xf32, #tpu.memory_space<hbm>>, %arg6: memref<12288x128xf32, #tpu.memory_space<hbm>>, %arg7: memref<12288x128xf32, #tpu.memory_space<hbm>>, %arg8: memref<384xi32, #tpu.memory_space<vmem>>, %arg9: memref<384xi32, #tpu.memory_space<vmem>>, %arg10: memref<384x128xf32, #tpu.memory_space<vmem>>, %arg11: memref<384x128xf32, #tpu.memory_space<vmem>>, %arg12: memref<!tpu.dma_semaphore, #tpu.memory_space<semaphore_mem>>, %arg13: memref<!tpu.dma_semaphore, #tpu.memory_space<semaphore_mem>>, %arg14: memref<!tpu.dma_semaphore, #tpu.memory_space<semaphore_mem>>) attributes {dimension_semantics = [#tpu.dimension_semantics<core_parallel>, #tpu.dimension_semantics<subcore_parallel>], iteration_bounds = array<i64: 2, 16>, scalar_prefetch = 0 : i64, scratch_operands = 7 : i64, tpu.core_type = #tpu.core_type<sc_vector_subcore>, window_params = [{transform_indices = #map}, {transform_indices = #map}, {transform_indices = #map1}, {transform_indices = #map1}, {transform_indices = #map1}, {transform_indices = #map1}]} {
    %mul3A = arith.constant 2 : i32
    %mul3A_0 = arith.muli %arg1, %mul3A : i32
    %add3A = arith.addi %mul3A_0, %arg0 : i32
    %mul3A_1 = arith.constant 384 : i32
    %mul3A_2 = arith.muli %add3A, %mul3A_1 : i32
    "tpu.region"() ({
      %run_scoped3A = tpu.sem_alloc : memref<!tpu.dma_semaphore, #tpu.memory_space<semaphore_mem>>
      %dma_start3A_113 = tpu.memref_slice %arg2[%mul3A_2] : memref<12288xi32, #tpu.memory_space<hbm>> -> memref<384xi32, #tpu.memory_space<hbm>>
      %dma_start3A_114 = tpu.memref_slice %arg2[%mul3A_2] : memref<12288xi32, #tpu.memory_space<hbm>> -> memref<384xi32, #tpu.memory_space<hbm>>
      tpu.enqueue_dma source(%dma_start3A_114 : memref<384xi32, #tpu.memory_space<hbm>>) target(%arg8 : memref<384xi32, #tpu.memory_space<vmem>>) target_semaphore(%run_scoped3A : memref<!tpu.dma_semaphore, #tpu.memory_space<semaphore_mem>>)
      %dma_wait3A_115 = tpu.memref_slice %arg2[%mul3A_2] : memref<12288xi32, #tpu.memory_space<hbm>> -> memref<384xi32, #tpu.memory_space<hbm>>
      %dma_wait3A_116 = tpu.memref_slice %arg2[%mul3A_2] : memref<12288xi32, #tpu.memory_space<hbm>> -> memref<384xi32, #tpu.memory_space<hbm>>
      tpu.wait_dma2 semaphore(%run_scoped3A : memref<!tpu.dma_semaphore, #tpu.memory_space<semaphore_mem>>) src(%dma_wait3A_116 : memref<384xi32, #tpu.memory_space<hbm>>) dst(%arg8 : memref<384xi32, #tpu.memory_space<vmem>>)
      tpu.yield
    }) : () -> ()
    "tpu.region"() ({
      %run_scoped3A = tpu.sem_alloc : memref<!tpu.dma_semaphore, #tpu.memory_space<semaphore_mem>>
      %dma_start3A_113 = tpu.memref_slice %arg3[%mul3A_2] : memref<12288xi32, #tpu.memory_space<hbm>> -> memref<384xi32, #tpu.memory_space<hbm>>
      %dma_start3A_114 = tpu.memref_slice %arg3[%mul3A_2] : memref<12288xi32, #tpu.memory_space<hbm>> -> memref<384xi32, #tpu.memory_space<hbm>>
      tpu.enqueue_dma source(%dma_start3A_114 : memref<384xi32, #tpu.memory_space<hbm>>) target(%arg9 : memref<384xi32, #tpu.memory_space<vmem>>) target_semaphore(%run_scoped3A : memref<!tpu.dma_semaphore, #tpu.memory_space<semaphore_mem>>)
      %dma_wait3A_115 = tpu.memref_slice %arg3[%mul3A_2] : memref<12288xi32, #tpu.memory_space<hbm>> -> memref<384xi32, #tpu.memory_space<hbm>>
      %dma_wait3A_116 = tpu.memref_slice %arg3[%mul3A_2] : memref<12288xi32, #tpu.memory_space<hbm>> -> memref<384xi32, #tpu.memory_space<hbm>>
      tpu.wait_dma2 semaphore(%run_scoped3A : memref<!tpu.dma_semaphore, #tpu.memory_space<semaphore_mem>>) src(%dma_wait3A_116 : memref<384xi32, #tpu.memory_space<hbm>>) dst(%arg9 : memref<384xi32, #tpu.memory_space<vmem>>)
      tpu.yield
    }) : () -> ()
    %dma_start3A = arith.constant 0 : i32
    %dma_start3A_3 = arith.constant 0 : i32
    %dma_start3A_4 = tpu.memref_slice %arg10[%dma_start3A, %dma_start3A_3] : memref<384x128xf32, #tpu.memory_space<vmem>> -> memref<128x128xf32, #tpu.memory_space<vmem>>
    %dma_start3A_5 = arith.constant 0 : i32
    %dma_start3A_6 = tpu.memref_slice %arg8[%dma_start3A_5] : memref<384xi32, #tpu.memory_space<vmem>> -> memref<128xi32, #tpu.memory_space<vmem>>
    %dma_start3A_7 = arith.constant 0 : i32
    %dma_start3A_8 = arith.constant 0 : i32
    %dma_start3A_9 = tpu.memref_slice %arg4[%dma_start3A_7, %dma_start3A_8] : memref<100000x128xf32, #tpu.memory_space<hbm>> -> memref<100000x128xf32, #tpu.memory_space<hbm>>
    tpu.enqueue_indirect_dma source(%dma_start3A_9 : memref<100000x128xf32, #tpu.memory_space<hbm>>) target(%dma_start3A_4 : memref<128x128xf32, #tpu.memory_space<vmem>>) offsets(%dma_start3A_6 : memref<128xi32, #tpu.memory_space<vmem>>) semaphore(%arg12 : memref<!tpu.dma_semaphore, #tpu.memory_space<semaphore_mem>>)
    %dma_start3A_10 = arith.constant 128 : i32
    %dma_start3A_11 = arith.constant 0 : i32
    %dma_start3A_12 = tpu.memref_slice %arg10[%dma_start3A_10, %dma_start3A_11] : memref<384x128xf32, #tpu.memory_space<vmem>> -> memref<128x128xf32, #tpu.memory_space<vmem>>
    %dma_start3A_13 = arith.constant 128 : i32
    %dma_start3A_14 = tpu.memref_slice %arg8[%dma_start3A_13] : memref<384xi32, #tpu.memory_space<vmem>> -> memref<128xi32, #tpu.memory_space<vmem>>
    %dma_start3A_15 = arith.constant 0 : i32
    %dma_start3A_16 = arith.constant 0 : i32
    %dma_start3A_17 = tpu.memref_slice %arg4[%dma_start3A_15, %dma_start3A_16] : memref<100000x128xf32, #tpu.memory_space<hbm>> -> memref<100000x128xf32, #tpu.memory_space<hbm>>
    tpu.enqueue_indirect_dma source(%dma_start3A_17 : memref<100000x128xf32, #tpu.memory_space<hbm>>) target(%dma_start3A_12 : memref<128x128xf32, #tpu.memory_space<vmem>>) offsets(%dma_start3A_14 : memref<128xi32, #tpu.memory_space<vmem>>) semaphore(%arg12 : memref<!tpu.dma_semaphore, #tpu.memory_space<semaphore_mem>>)
    %dma_start3A_18 = arith.constant 256 : i32
    %dma_start3A_19 = arith.constant 0 : i32
    %dma_start3A_20 = tpu.memref_slice %arg10[%dma_start3A_18, %dma_start3A_19] : memref<384x128xf32, #tpu.memory_space<vmem>> -> memref<128x128xf32, #tpu.memory_space<vmem>>
    %dma_start3A_21 = arith.constant 256 : i32
    %dma_start3A_22 = tpu.memref_slice %arg8[%dma_start3A_21] : memref<384xi32, #tpu.memory_space<vmem>> -> memref<128xi32, #tpu.memory_space<vmem>>
    %dma_start3A_23 = arith.constant 0 : i32
    %dma_start3A_24 = arith.constant 0 : i32
    %dma_start3A_25 = tpu.memref_slice %arg4[%dma_start3A_23, %dma_start3A_24] : memref<100000x128xf32, #tpu.memory_space<hbm>> -> memref<100000x128xf32, #tpu.memory_space<hbm>>
    tpu.enqueue_indirect_dma source(%dma_start3A_25 : memref<100000x128xf32, #tpu.memory_space<hbm>>) target(%dma_start3A_20 : memref<128x128xf32, #tpu.memory_space<vmem>>) offsets(%dma_start3A_22 : memref<128xi32, #tpu.memory_space<vmem>>) semaphore(%arg12 : memref<!tpu.dma_semaphore, #tpu.memory_space<semaphore_mem>>)
    %dma_start3A_26 = arith.constant 0 : i32
    %dma_start3A_27 = arith.constant 0 : i32
    %dma_start3A_28 = tpu.memref_slice %arg11[%dma_start3A_26, %dma_start3A_27] : memref<384x128xf32, #tpu.memory_space<vmem>> -> memref<128x128xf32, #tpu.memory_space<vmem>>
    %dma_start3A_29 = arith.constant 0 : i32
    %dma_start3A_30 = tpu.memref_slice %arg9[%dma_start3A_29] : memref<384xi32, #tpu.memory_space<vmem>> -> memref<128xi32, #tpu.memory_space<vmem>>
    %dma_start3A_31 = arith.constant 0 : i32
    %dma_start3A_32 = arith.constant 0 : i32
    %dma_start3A_33 = tpu.memref_slice %arg5[%dma_start3A_31, %dma_start3A_32] : memref<1000000x128xf32, #tpu.memory_space<hbm>> -> memref<1000000x128xf32, #tpu.memory_space<hbm>>
    tpu.enqueue_indirect_dma source(%dma_start3A_33 : memref<1000000x128xf32, #tpu.memory_space<hbm>>) target(%dma_start3A_28 : memref<128x128xf32, #tpu.memory_space<vmem>>) offsets(%dma_start3A_30 : memref<128xi32, #tpu.memory_space<vmem>>) semaphore(%arg13 : memref<!tpu.dma_semaphore, #tpu.memory_space<semaphore_mem>>)
    %dma_start3A_34 = arith.constant 128 : i32
    %dma_start3A_35 = arith.constant 0 : i32
    %dma_start3A_36 = tpu.memref_slice %arg11[%dma_start3A_34, %dma_start3A_35] : memref<384x128xf32, #tpu.memory_space<vmem>> -> memref<128x128xf32, #tpu.memory_space<vmem>>
    %dma_start3A_37 = arith.constant 128 : i32
    %dma_start3A_38 = tpu.memref_slice %arg9[%dma_start3A_37] : memref<384xi32, #tpu.memory_space<vmem>> -> memref<128xi32, #tpu.memory_space<vmem>>
    %dma_start3A_39 = arith.constant 0 : i32
    %dma_start3A_40 = arith.constant 0 : i32
    %dma_start3A_41 = tpu.memref_slice %arg5[%dma_start3A_39, %dma_start3A_40] : memref<1000000x128xf32, #tpu.memory_space<hbm>> -> memref<1000000x128xf32, #tpu.memory_space<hbm>>
    tpu.enqueue_indirect_dma source(%dma_start3A_41 : memref<1000000x128xf32, #tpu.memory_space<hbm>>) target(%dma_start3A_36 : memref<128x128xf32, #tpu.memory_space<vmem>>) offsets(%dma_start3A_38 : memref<128xi32, #tpu.memory_space<vmem>>) semaphore(%arg13 : memref<!tpu.dma_semaphore, #tpu.memory_space<semaphore_mem>>)
    %dma_start3A_42 = arith.constant 256 : i32
    %dma_start3A_43 = arith.constant 0 : i32
    %dma_start3A_44 = tpu.memref_slice %arg11[%dma_start3A_42, %dma_start3A_43] : memref<384x128xf32, #tpu.memory_space<vmem>> -> memref<128x128xf32, #tpu.memory_space<vmem>>
    %dma_start3A_45 = arith.constant 256 : i32
    %dma_start3A_46 = tpu.memref_slice %arg9[%dma_start3A_45] : memref<384xi32, #tpu.memory_space<vmem>> -> memref<128xi32, #tpu.memory_space<vmem>>
    %dma_start3A_47 = arith.constant 0 : i32
    %dma_start3A_48 = arith.constant 0 : i32
    %dma_start3A_49 = tpu.memref_slice %arg5[%dma_start3A_47, %dma_start3A_48] : memref<1000000x128xf32, #tpu.memory_space<hbm>> -> memref<1000000x128xf32, #tpu.memory_space<hbm>>
    tpu.enqueue_indirect_dma source(%dma_start3A_49 : memref<1000000x128xf32, #tpu.memory_space<hbm>>) target(%dma_start3A_44 : memref<128x128xf32, #tpu.memory_space<vmem>>) offsets(%dma_start3A_46 : memref<128xi32, #tpu.memory_space<vmem>>) semaphore(%arg13 : memref<!tpu.dma_semaphore, #tpu.memory_space<semaphore_mem>>)
    %dma_wait3A = arith.constant 0 : i32
    %dma_wait3A_50 = arith.constant 0 : i32
    %dma_wait3A_51 = tpu.memref_slice %arg10[%dma_wait3A, %dma_wait3A_50] : memref<384x128xf32, #tpu.memory_space<vmem>> -> memref<128x128xf32, #tpu.memory_space<vmem>>
    %dma_wait3A_52 = arith.constant 0 : i32
    %dma_wait3A_53 = tpu.memref_slice %arg8[%dma_wait3A_52] : memref<384xi32, #tpu.memory_space<vmem>> -> memref<128xi32, #tpu.memory_space<vmem>>
    %dma_wait3A_54 = arith.constant 0 : i32
    %dma_wait3A_55 = arith.constant 0 : i32
    %dma_wait3A_56 = tpu.memref_slice %arg4[%dma_wait3A_54, %dma_wait3A_55] : memref<100000x128xf32, #tpu.memory_space<hbm>> -> memref<100000x128xf32, #tpu.memory_space<hbm>>
    tpu.wait_indirect_dma semaphore(%arg12 : memref<!tpu.dma_semaphore, #tpu.memory_space<semaphore_mem>>) src(%dma_wait3A_56 : memref<100000x128xf32, #tpu.memory_space<hbm>>) dst(%dma_wait3A_51 : memref<128x128xf32, #tpu.memory_space<vmem>>)
    %dma_wait3A_57 = arith.constant 128 : i32
    %dma_wait3A_58 = arith.constant 0 : i32
    %dma_wait3A_59 = tpu.memref_slice %arg10[%dma_wait3A_57, %dma_wait3A_58] : memref<384x128xf32, #tpu.memory_space<vmem>> -> memref<128x128xf32, #tpu.memory_space<vmem>>
    %dma_wait3A_60 = arith.constant 128 : i32
    %dma_wait3A_61 = tpu.memref_slice %arg8[%dma_wait3A_60] : memref<384xi32, #tpu.memory_space<vmem>> -> memref<128xi32, #tpu.memory_space<vmem>>
    %dma_wait3A_62 = arith.constant 0 : i32
    %dma_wait3A_63 = arith.constant 0 : i32
    %dma_wait3A_64 = tpu.memref_slice %arg4[%dma_wait3A_62, %dma_wait3A_63] : memref<100000x128xf32, #tpu.memory_space<hbm>> -> memref<100000x128xf32, #tpu.memory_space<hbm>>
    tpu.wait_indirect_dma semaphore(%arg12 : memref<!tpu.dma_semaphore, #tpu.memory_space<semaphore_mem>>) src(%dma_wait3A_64 : memref<100000x128xf32, #tpu.memory_space<hbm>>) dst(%dma_wait3A_59 : memref<128x128xf32, #tpu.memory_space<vmem>>)
    %dma_wait3A_65 = arith.constant 256 : i32
    %dma_wait3A_66 = arith.constant 0 : i32
    %dma_wait3A_67 = tpu.memref_slice %arg10[%dma_wait3A_65, %dma_wait3A_66] : memref<384x128xf32, #tpu.memory_space<vmem>> -> memref<128x128xf32, #tpu.memory_space<vmem>>
    %dma_wait3A_68 = arith.constant 256 : i32
    %dma_wait3A_69 = tpu.memref_slice %arg8[%dma_wait3A_68] : memref<384xi32, #tpu.memory_space<vmem>> -> memref<128xi32, #tpu.memory_space<vmem>>
    %dma_wait3A_70 = arith.constant 0 : i32
    %dma_wait3A_71 = arith.constant 0 : i32
    %dma_wait3A_72 = tpu.memref_slice %arg4[%dma_wait3A_70, %dma_wait3A_71] : memref<100000x128xf32, #tpu.memory_space<hbm>> -> memref<100000x128xf32, #tpu.memory_space<hbm>>
    tpu.wait_indirect_dma semaphore(%arg12 : memref<!tpu.dma_semaphore, #tpu.memory_space<semaphore_mem>>) src(%dma_wait3A_72 : memref<100000x128xf32, #tpu.memory_space<hbm>>) dst(%dma_wait3A_67 : memref<128x128xf32, #tpu.memory_space<vmem>>)
    %dma_start3A_73 = arith.constant 0 : i32
    %dma_start3A_74 = tpu.memref_slice %arg6[%mul3A_2, %dma_start3A_73] : memref<12288x128xf32, #tpu.memory_space<hbm>> -> memref<384x128xf32, #tpu.memory_space<hbm>>
    %dma_start3A_75 = arith.constant 0 : i32
    %dma_start3A_76 = tpu.memref_slice %arg6[%mul3A_2, %dma_start3A_75] : memref<12288x128xf32, #tpu.memory_space<hbm>> -> memref<384x128xf32, #tpu.memory_space<hbm>>
    tpu.enqueue_dma source(%arg10 : memref<384x128xf32, #tpu.memory_space<vmem>>) target(%dma_start3A_76 : memref<384x128xf32, #tpu.memory_space<hbm>>) target_semaphore(%arg14 : memref<!tpu.dma_semaphore, #tpu.memory_space<semaphore_mem>>)
    %dma_wait3A_77 = arith.constant 0 : i32
    %dma_wait3A_78 = arith.constant 0 : i32
    %dma_wait3A_79 = tpu.memref_slice %arg11[%dma_wait3A_77, %dma_wait3A_78] : memref<384x128xf32, #tpu.memory_space<vmem>> -> memref<128x128xf32, #tpu.memory_space<vmem>>
    %dma_wait3A_80 = arith.constant 0 : i32
    %dma_wait3A_81 = tpu.memref_slice %arg9[%dma_wait3A_80] : memref<384xi32, #tpu.memory_space<vmem>> -> memref<128xi32, #tpu.memory_space<vmem>>
    %dma_wait3A_82 = arith.constant 0 : i32
    %dma_wait3A_83 = arith.constant 0 : i32
    %dma_wait3A_84 = tpu.memref_slice %arg5[%dma_wait3A_82, %dma_wait3A_83] : memref<1000000x128xf32, #tpu.memory_space<hbm>> -> memref<1000000x128xf32, #tpu.memory_space<hbm>>
    tpu.wait_indirect_dma semaphore(%arg13 : memref<!tpu.dma_semaphore, #tpu.memory_space<semaphore_mem>>) src(%dma_wait3A_84 : memref<1000000x128xf32, #tpu.memory_space<hbm>>) dst(%dma_wait3A_79 : memref<128x128xf32, #tpu.memory_space<vmem>>)
    %dma_wait3A_85 = arith.constant 128 : i32
    %dma_wait3A_86 = arith.constant 0 : i32
    %dma_wait3A_87 = tpu.memref_slice %arg11[%dma_wait3A_85, %dma_wait3A_86] : memref<384x128xf32, #tpu.memory_space<vmem>> -> memref<128x128xf32, #tpu.memory_space<vmem>>
    %dma_wait3A_88 = arith.constant 128 : i32
    %dma_wait3A_89 = tpu.memref_slice %arg9[%dma_wait3A_88] : memref<384xi32, #tpu.memory_space<vmem>> -> memref<128xi32, #tpu.memory_space<vmem>>
    %dma_wait3A_90 = arith.constant 0 : i32
    %dma_wait3A_91 = arith.constant 0 : i32
    %dma_wait3A_92 = tpu.memref_slice %arg5[%dma_wait3A_90, %dma_wait3A_91] : memref<1000000x128xf32, #tpu.memory_space<hbm>> -> memref<1000000x128xf32, #tpu.memory_space<hbm>>
    tpu.wait_indirect_dma semaphore(%arg13 : memref<!tpu.dma_semaphore, #tpu.memory_space<semaphore_mem>>) src(%dma_wait3A_92 : memref<1000000x128xf32, #tpu.memory_space<hbm>>) dst(%dma_wait3A_87 : memref<128x128xf32, #tpu.memory_space<vmem>>)
    %dma_wait3A_93 = arith.constant 256 : i32
    %dma_wait3A_94 = arith.constant 0 : i32
    %dma_wait3A_95 = tpu.memref_slice %arg11[%dma_wait3A_93, %dma_wait3A_94] : memref<384x128xf32, #tpu.memory_space<vmem>> -> memref<128x128xf32, #tpu.memory_space<vmem>>
    %dma_wait3A_96 = arith.constant 256 : i32
    %dma_wait3A_97 = tpu.memref_slice %arg9[%dma_wait3A_96] : memref<384xi32, #tpu.memory_space<vmem>> -> memref<128xi32, #tpu.memory_space<vmem>>
    %dma_wait3A_98 = arith.constant 0 : i32
    %dma_wait3A_99 = arith.constant 0 : i32
    %dma_wait3A_100 = tpu.memref_slice %arg5[%dma_wait3A_98, %dma_wait3A_99] : memref<1000000x128xf32, #tpu.memory_space<hbm>> -> memref<1000000x128xf32, #tpu.memory_space<hbm>>
    tpu.wait_indirect_dma semaphore(%arg13 : memref<!tpu.dma_semaphore, #tpu.memory_space<semaphore_mem>>) src(%dma_wait3A_100 : memref<1000000x128xf32, #tpu.memory_space<hbm>>) dst(%dma_wait3A_95 : memref<128x128xf32, #tpu.memory_space<vmem>>)
    %dma_start3A_101 = arith.constant 0 : i32
    %dma_start3A_102 = tpu.memref_slice %arg7[%mul3A_2, %dma_start3A_101] : memref<12288x128xf32, #tpu.memory_space<hbm>> -> memref<384x128xf32, #tpu.memory_space<hbm>>
    %dma_start3A_103 = arith.constant 0 : i32
    %dma_start3A_104 = tpu.memref_slice %arg7[%mul3A_2, %dma_start3A_103] : memref<12288x128xf32, #tpu.memory_space<hbm>> -> memref<384x128xf32, #tpu.memory_space<hbm>>
    tpu.enqueue_dma source(%arg11 : memref<384x128xf32, #tpu.memory_space<vmem>>) target(%dma_start3A_104 : memref<384x128xf32, #tpu.memory_space<hbm>>) target_semaphore(%arg14 : memref<!tpu.dma_semaphore, #tpu.memory_space<semaphore_mem>>)
    %dma_wait3A_105 = arith.constant 0 : i32
    %dma_wait3A_106 = tpu.memref_slice %arg6[%mul3A_2, %dma_wait3A_105] : memref<12288x128xf32, #tpu.memory_space<hbm>> -> memref<384x128xf32, #tpu.memory_space<hbm>>
    %dma_wait3A_107 = arith.constant 0 : i32
    %dma_wait3A_108 = tpu.memref_slice %arg6[%mul3A_2, %dma_wait3A_107] : memref<12288x128xf32, #tpu.memory_space<hbm>> -> memref<384x128xf32, #tpu.memory_space<hbm>>
    tpu.wait_dma2 semaphore(%arg14 : memref<!tpu.dma_semaphore, #tpu.memory_space<semaphore_mem>>) src(%arg10 : memref<384x128xf32, #tpu.memory_space<vmem>>) dst(%dma_wait3A_108 : memref<384x128xf32, #tpu.memory_space<hbm>>)
    %dma_wait3A_109 = arith.constant 0 : i32
    %dma_wait3A_110 = tpu.memref_slice %arg7[%mul3A_2, %dma_wait3A_109] : memref<12288x128xf32, #tpu.memory_space<hbm>> -> memref<384x128xf32, #tpu.memory_space<hbm>>
    %dma_wait3A_111 = arith.constant 0 : i32
    %dma_wait3A_112 = tpu.memref_slice %arg7[%mul3A_2, %dma_wait3A_111] : memref<12288x128xf32, #tpu.memory_space<hbm>> -> memref<384x128xf32, #tpu.memory_space<hbm>>
    tpu.wait_dma2 semaphore(%arg14 : memref<!tpu.dma_semaphore, #tpu.memory_space<semaphore_mem>>) src(%arg11 : memref<384x128xf32, #tpu.memory_space<vmem>>) dst(%dma_wait3A_112 : memref<384x128xf32, #tpu.memory_space<hbm>>)
    return
  }
}

module attributes {stable_mosaic.version = 14 : i64} {
  func.func @_mlp_body(%arg0: i32, %arg1: memref<2048x128xf32, #tpu.memory_space<vmem>>, %arg2: memref<2048x128xf32, #tpu.memory_space<vmem>>, %arg3: memref<1024x256xbf16, #tpu.memory_space<vmem>>, %arg4: memref<1024x1xf32, #tpu.memory_space<vmem>>, %arg5: memref<1x1024xf32, #tpu.memory_space<vmem>>, %arg6: memref<1x1xf32, #tpu.memory_space<vmem>>, %arg7: memref<16x128xf32, #tpu.memory_space<vmem>>) attributes {dimension_semantics = [#tpu.dimension_semantics<arbitrary>], iteration_bounds = array<i64: 2>, scalar_prefetch = 0 : i64, scratch_operands = 0 : i64, tpu.core_type = #tpu.core_type<tc>, window_params = [{transform_indices = @transform_0, window_bounds = array<i64: 2048, 128>}, {transform_indices = @transform_1, window_bounds = array<i64: 2048, 128>}, {pipeline_mode = #tpu.pipeline_mode<synchronous>, transform_indices = @transform_2, window_bounds = array<i64: 1024, 256>}, {pipeline_mode = #tpu.pipeline_mode<synchronous>, transform_indices = @transform_3, window_bounds = array<i64: 1024, 1>}, {pipeline_mode = #tpu.pipeline_mode<synchronous>, transform_indices = @transform_4, window_bounds = array<i64: 1, 1024>}, {pipeline_mode = #tpu.pipeline_mode<synchronous>, transform_indices = @transform_5, window_bounds = array<i64: 1, 1>}, {transform_indices = @transform_6, window_bounds = array<i64: 16, 128>}]} {
    %get3A = arith.constant 0 : index
    %get3A_0 = arith.constant 0 : index
    %get3A_1 = vector.load %arg1[%get3A, %get3A_0] : memref<2048x128xf32, #tpu.memory_space<vmem>>, vector<2048x128xf32>
    %convert_element_type3A = arith.truncf %get3A_1 : vector<2048x128xf32> to vector<2048x128xbf16>
    %transpose3A = tpu.transpose %convert_element_type3A, [1, 0] : vector<2048x128xbf16> -> vector<128x2048xbf16>
    %get3A_2 = arith.constant 0 : index
    %get3A_3 = arith.constant 0 : index
    %get3A_4 = vector.load %arg2[%get3A_2, %get3A_3] : memref<2048x128xf32, #tpu.memory_space<vmem>>, vector<2048x128xf32>
    %convert_element_type3A_5 = arith.truncf %get3A_4 : vector<2048x128xf32> to vector<2048x128xbf16>
    %transpose3A_6 = tpu.transpose %convert_element_type3A_5, [1, 0] : vector<2048x128xbf16> -> vector<128x2048xbf16>
    %get3A_7 = arith.constant 0 : index
    %get3A_8 = arith.constant 0 : index
    %get3A_9 = vector.load %arg3[%get3A_7, %get3A_8] : memref<1024x256xbf16, #tpu.memory_space<vmem>>, vector<1024x256xbf16>
    %slice3A = vector.extract_strided_slice %get3A_9 {offsets = [0, 0], sizes = [1024, 128], strides = [1, 1]} : vector<1024x256xbf16> to vector<1024x128xbf16>
    %dot_general3A = arith.constant dense<0.000000e+00> : vector<1024x2048xf32>
    %dot_general3A_10 = tpu.matmul %slice3A, %transpose3A, %dot_general3A {dimension_numbers = #tpu.dot_dimension_numbers<[1], [0], [0], [1], [0, 0, 1, 1], [], []>, transpose_lhs_hint = false} : vector<1024x128xbf16>, vector<128x2048xbf16>, vector<1024x2048xf32> -> vector<1024x2048xf32>
    %slice3A_11 = vector.extract_strided_slice %get3A_9 {offsets = [0, 128], sizes = [1024, 128], strides = [1, 1]} : vector<1024x256xbf16> to vector<1024x128xbf16>
    %dot_general3A_12 = arith.constant dense<0.000000e+00> : vector<1024x2048xf32>
    %dot_general3A_13 = tpu.matmul %slice3A_11, %transpose3A_6, %dot_general3A_12 {dimension_numbers = #tpu.dot_dimension_numbers<[1], [0], [0], [1], [0, 0, 1, 1], [], []>, transpose_lhs_hint = false} : vector<1024x128xbf16>, vector<128x2048xbf16>, vector<1024x2048xf32> -> vector<1024x2048xf32>
    %add3A = arith.addf %dot_general3A_10, %dot_general3A_13 : vector<1024x2048xf32>
    %get3A_14 = arith.constant 0 : index
    %get3A_15 = arith.constant 0 : index
    %get3A_16 = vector.load %arg4[%get3A_14, %get3A_15] : memref<1024x1xf32, #tpu.memory_space<vmem>>, vector<1024x1xf32>
    %add3A_17 = vector.broadcast %get3A_16 : vector<1024x1xf32> to vector<1024x2048xf32>
    %add3A_18 = arith.addf %add3A, %add3A_17 : vector<1024x2048xf32>
    %max3A = arith.constant 0.000000e+00 : f32
    %max3A_19 = vector.broadcast %max3A : f32 to vector<1024x2048xf32>
    %max3A_20 = arith.maximumf %add3A_18, %max3A_19 : vector<1024x2048xf32>
    %get3A_21 = arith.constant 0 : index
    %get3A_22 = arith.constant 0 : index
    %get3A_23 = vector.load %arg5[%get3A_21, %get3A_22] : memref<1x1024xf32, #tpu.memory_space<vmem>>, vector<1x1024xf32>
    %dot_general3A_24 = arith.constant dense<0.000000e+00> : vector<1x2048xf32>
    %dot_general3A_25 = tpu.matmul %get3A_23, %max3A_20, %dot_general3A_24 {dimension_numbers = #tpu.dot_dimension_numbers<[1], [0], [0], [1], [0, 0, 1, 1], [], []>, transpose_lhs_hint = false} : vector<1x1024xf32>, vector<1024x2048xf32>, vector<1x2048xf32> -> vector<1x2048xf32>
    %reshape3A = vector.shape_cast %dot_general3A_25 : vector<1x2048xf32> to vector<16x128xf32>
    %get3A_26 = arith.constant 0 : index
    %get3A_27 = arith.constant 0 : index
    %get3A_28 = vector.load %arg6[%get3A_26, %get3A_27] : memref<1x1xf32, #tpu.memory_space<vmem>>, vector<1x1xf32>
    %get3A_29 = vector.extract %get3A_28[0, 0] : f32 from vector<1x1xf32>
    %add3A_30 = vector.broadcast %get3A_29 : f32 to vector<16x128xf32>
    %add3A_31 = arith.addf %reshape3A, %add3A_30 : vector<16x128xf32>
    %swap3A = arith.constant 0 : index
    %swap3A_32 = arith.constant 0 : index
    %swap3A_33 = vector.load %arg7[%swap3A, %swap3A_32] : memref<16x128xf32, #tpu.memory_space<vmem>>, vector<16x128xf32>
    tpu.vector_store %arg7[%swap3A, %swap3A_32], %add3A_31 {strides = array<i32>} : memref<16x128xf32, #tpu.memory_space<vmem>>, vector<16x128xf32>,
    return
  }
  func.func @transform_0(%arg0: i32) -> (i32, i32) {
    %c0_i32 = arith.constant 0 : i32
    %c0_i32_0 = arith.constant 0 : i32
    return %arg0, %c0_i32 : i32, i32
  }
  func.func @transform_1(%arg0: i32) -> (i32, i32) {
    %c0_i32 = arith.constant 0 : i32
    %c0_i32_0 = arith.constant 0 : i32
    return %arg0, %c0_i32 : i32, i32
  }
  func.func @transform_2(%arg0: i32) -> (i32, i32) {
    %c0_i32 = arith.constant 0 : i32
    %c0_i32_0 = arith.constant 0 : i32
    %c0_i32_1 = arith.constant 0 : i32
    return %c0_i32, %c0_i32_0 : i32, i32
  }
  func.func @transform_3(%arg0: i32) -> (i32, i32) {
    %c0_i32 = arith.constant 0 : i32
    %c0_i32_0 = arith.constant 0 : i32
    %c0_i32_1 = arith.constant 0 : i32
    return %c0_i32, %c0_i32_0 : i32, i32
  }
  func.func @transform_4(%arg0: i32) -> (i32, i32) {
    %c0_i32 = arith.constant 0 : i32
    %c0_i32_0 = arith.constant 0 : i32
    %c0_i32_1 = arith.constant 0 : i32
    return %c0_i32, %c0_i32_0 : i32, i32
  }
  func.func @transform_5(%arg0: i32) -> (i32, i32) {
    %c0_i32 = arith.constant 0 : i32
    %c0_i32_0 = arith.constant 0 : i32
    %c0_i32_1 = arith.constant 0 : i32
    return %c0_i32, %c0_i32_0 : i32, i32
  }
  func.func @transform_6(%arg0: i32) -> (i32, i32) {
    %add3A = arith.constant 0 : i32
    %add3A_0 = arith.addi %add3A, %arg0 : i32
    %c0_i32 = arith.constant 0 : i32
    %c0_i32_1 = arith.constant 0 : i32
    return %add3A_0, %c0_i32 : i32, i32
  }
}

module attributes {stable_mosaic.version = 14 : i64} {
  func.func @_lambda_(%arg0: i32, %arg1: memref<4096x128xf32, #tpu.memory_space<vmem>>, %arg2: memref<4096x128xf32, #tpu.memory_space<vmem>>, %arg3: memref<1024x256xbf16, #tpu.memory_space<vmem>>, %arg4: memref<1024x1xf32, #tpu.memory_space<vmem>>, %arg5: memref<1x1024xf32, #tpu.memory_space<vmem>>, %arg6: memref<1x1xf32, #tpu.memory_space<vmem>>, %arg7: memref<128x128xf32, #tpu.memory_space<any>>, %arg8: memref<32x128xf32, #tpu.memory_space<vmem>>) attributes {dimension_semantics = [#tpu.dimension_semantics<arbitrary>], iteration_bounds = array<i64: 3>, scalar_prefetch = 0 : i64, scratch_operands = 0 : i64, tpu.core_type = #tpu.core_type<tc>, window_params = [{transform_indices = @transform_0, window_bounds = array<i64: 4096, 128>}, {transform_indices = @transform_1, window_bounds = array<i64: 4096, 128>}, {pipeline_mode = #tpu.pipeline_mode<synchronous>, transform_indices = @transform_2, window_bounds = array<i64: 1024, 256>}, {pipeline_mode = #tpu.pipeline_mode<synchronous>, transform_indices = @transform_3, window_bounds = array<i64: 1024, 1>}, {pipeline_mode = #tpu.pipeline_mode<synchronous>, transform_indices = @transform_4, window_bounds = array<i64: 1, 1024>}, {pipeline_mode = #tpu.pipeline_mode<synchronous>, transform_indices = @transform_5, window_bounds = array<i64: 1, 1>}, {}, {transform_indices = @transform_7, window_bounds = array<i64: 32, 128>}]} {
    %get3A = arith.constant 0 : index
    %get3A_0 = arith.constant 0 : index
    %get3A_1 = vector.load %arg1[%get3A, %get3A_0] : memref<4096x128xf32, #tpu.memory_space<vmem>>, vector<4096x128xf32>
    %convert_element_type3A = arith.truncf %get3A_1 : vector<4096x128xf32> to vector<4096x128xbf16>
    %transpose3A = tpu.transpose %convert_element_type3A, [1, 0] : vector<4096x128xbf16> -> vector<128x4096xbf16>
    %get3A_2 = arith.constant 0 : index
    %get3A_3 = arith.constant 0 : index
    %get3A_4 = vector.load %arg2[%get3A_2, %get3A_3] : memref<4096x128xf32, #tpu.memory_space<vmem>>, vector<4096x128xf32>
    %convert_element_type3A_5 = arith.truncf %get3A_4 : vector<4096x128xf32> to vector<4096x128xbf16>
    %transpose3A_6 = tpu.transpose %convert_element_type3A_5, [1, 0] : vector<4096x128xbf16> -> vector<128x4096xbf16>
    %get3A_7 = arith.constant 0 : index
    %get3A_8 = arith.constant 0 : index
    %get3A_9 = vector.load %arg3[%get3A_7, %get3A_8] : memref<1024x256xbf16, #tpu.memory_space<vmem>>, vector<1024x256xbf16>
    %slice3A = vector.extract_strided_slice %get3A_9 {offsets = [0, 0], sizes = [1024, 128], strides = [1, 1]} : vector<1024x256xbf16> to vector<1024x128xbf16>
    %dot_general3A = arith.constant dense<0.000000e+00> : vector<1024x4096xf32>
    %dot_general3A_10 = tpu.matmul %slice3A, %transpose3A, %dot_general3A {dimension_numbers = #tpu.dot_dimension_numbers<[1], [0], [0], [1], [0, 0, 1, 1], [], []>, transpose_lhs_hint = false} : vector<1024x128xbf16>, vector<128x4096xbf16>, vector<1024x4096xf32> -> vector<1024x4096xf32>
    %slice3A_11 = vector.extract_strided_slice %get3A_9 {offsets = [0, 128], sizes = [1024, 128], strides = [1, 1]} : vector<1024x256xbf16> to vector<1024x128xbf16>
    %dot_general3A_12 = arith.constant dense<0.000000e+00> : vector<1024x4096xf32>
    %dot_general3A_13 = tpu.matmul %slice3A_11, %transpose3A_6, %dot_general3A_12 {dimension_numbers = #tpu.dot_dimension_numbers<[1], [0], [0], [1], [0, 0, 1, 1], [], []>, transpose_lhs_hint = false} : vector<1024x128xbf16>, vector<128x4096xbf16>, vector<1024x4096xf32> -> vector<1024x4096xf32>
    %add3A = arith.addf %dot_general3A_10, %dot_general3A_13 : vector<1024x4096xf32>
    %get3A_14 = arith.constant 0 : index
    %get3A_15 = arith.constant 0 : index
    %get3A_16 = vector.load %arg4[%get3A_14, %get3A_15] : memref<1024x1xf32, #tpu.memory_space<vmem>>, vector<1024x1xf32>
    %add3A_17 = vector.broadcast %get3A_16 : vector<1024x1xf32> to vector<1024x4096xf32>
    %add3A_18 = arith.addf %add3A, %add3A_17 : vector<1024x4096xf32>
    %max3A = arith.constant 0.000000e+00 : f32
    %max3A_19 = vector.broadcast %max3A : f32 to vector<1024x4096xf32>
    %max3A_20 = arith.maximumf %add3A_18, %max3A_19 : vector<1024x4096xf32>
    %get3A_21 = arith.constant 0 : index
    %get3A_22 = arith.constant 0 : index
    %get3A_23 = vector.load %arg5[%get3A_21, %get3A_22] : memref<1x1024xf32, #tpu.memory_space<vmem>>, vector<1x1024xf32>
    %dot_general3A_24 = arith.constant dense<0.000000e+00> : vector<1x4096xf32>
    %dot_general3A_25 = tpu.matmul %get3A_23, %max3A_20, %dot_general3A_24 {dimension_numbers = #tpu.dot_dimension_numbers<[1], [0], [0], [1], [0, 0, 1, 1], [], []>, transpose_lhs_hint = false} : vector<1x1024xf32>, vector<1024x4096xf32>, vector<1x4096xf32> -> vector<1x4096xf32>
    %reshape3A = vector.shape_cast %dot_general3A_25 : vector<1x4096xf32> to vector<32x128xf32>
    %get3A_26 = arith.constant 0 : index
    %get3A_27 = arith.constant 0 : index
    %get3A_28 = vector.load %arg6[%get3A_26, %get3A_27] : memref<1x1xf32, #tpu.memory_space<vmem>>, vector<1x1xf32>
    %get3A_29 = vector.extract %get3A_28[0, 0] : f32 from vector<1x1xf32>
    %add3A_30 = vector.broadcast %get3A_29 : f32 to vector<32x128xf32>
    %add3A_31 = arith.addf %reshape3A, %add3A_30 : vector<32x128xf32>
    %swap3A = arith.constant 0 : index
    %swap3A_32 = arith.constant 0 : index
    %swap3A_33 = vector.load %arg8[%swap3A, %swap3A_32] : memref<32x128xf32, #tpu.memory_space<vmem>>, vector<32x128xf32>
    tpu.vector_store %arg8[%swap3A, %swap3A_32], %add3A_31 {strides = array<i32>} : memref<32x128xf32, #tpu.memory_space<vmem>>, vector<32x128xf32>,
    return
  }
  func.func @transform_0(%arg0: i32) -> (i32, i32) {
    %c0_i32 = arith.constant 0 : i32
    %c0_i32_0 = arith.constant 0 : i32
    return %arg0, %c0_i32 : i32, i32
  }
  func.func @transform_1(%arg0: i32) -> (i32, i32) {
    %c0_i32 = arith.constant 0 : i32
    %c0_i32_0 = arith.constant 0 : i32
    return %arg0, %c0_i32 : i32, i32
  }
  func.func @transform_2(%arg0: i32) -> (i32, i32) {
    %c0_i32 = arith.constant 0 : i32
    %c0_i32_0 = arith.constant 0 : i32
    %c0_i32_1 = arith.constant 0 : i32
    return %c0_i32, %c0_i32_0 : i32, i32
  }
  func.func @transform_3(%arg0: i32) -> (i32, i32) {
    %c0_i32 = arith.constant 0 : i32
    %c0_i32_0 = arith.constant 0 : i32
    %c0_i32_1 = arith.constant 0 : i32
    return %c0_i32, %c0_i32_0 : i32, i32
  }
  func.func @transform_4(%arg0: i32) -> (i32, i32) {
    %c0_i32 = arith.constant 0 : i32
    %c0_i32_0 = arith.constant 0 : i32
    %c0_i32_1 = arith.constant 0 : i32
    return %c0_i32, %c0_i32_0 : i32, i32
  }
  func.func @transform_5(%arg0: i32) -> (i32, i32) {
    %c0_i32 = arith.constant 0 : i32
    %c0_i32_0 = arith.constant 0 : i32
    %c0_i32_1 = arith.constant 0 : i32
    return %c0_i32, %c0_i32_0 : i32, i32
  }
  func.func @transform_7(%arg0: i32) -> (i32, i32) {
    %add3A = arith.constant 1 : i32
    %add3A_0 = arith.addi %add3A, %arg0 : i32
    %c0_i32 = arith.constant 0 : i32
    %c0_i32_1 = arith.constant 0 : i32
    return %add3A_0, %c0_i32 : i32, i32
  }
}

</mosaic_0001>

<sc_bundles>
// kernel: kernel.6.cloned.1.call-start
scs
__scs_entry_jumppad:
0x0: {  	(pc) =	sbr.rel $0x88, $3  }
0x1: {  	(tag) =	ssettag $0x0;
	lr =	simm.s32 $0x1  }
0x2: {  	[smem:$0x3F9A] =	sst lr;
	_ =	strace $0xD0000000  }
0x3: {  	_ = 	snop  }
0x4: {  	_ = 	snop  }
0x5: {  	_ = 	snop  }
0x6: {  	_ = 	snop  }
0x7: {  	_ = 	snop  }
__scs_overlays_trampoline_lowered:
0x8: {  	[smem:$0x3FA9] =	sst s0  }
0x9: {  	[smem:$0x3FAA] =	sst s1  }
0xa: {  	[smem:$0x3FAB] =	sst s2  }
0xb: {  	[smem:$0x3FAC] =	sst s3  }
0xc: {  	[smem:$0x3FAD] =	sst s4  }
0xd: {  	[smem:$0x3FAE] =	sst s5  }
0xe: {  	[smem:$0x3FAF] =	sst s6  }
0xf: {  	[smem:$0x3FB0] =	sst s7  }
0x10: {  	[smem:$0x3FB1] =	sst s8  }
0x11: {  	[smem:$0x3FB2] =	sst s9;
	s0 =	simm.s32 @!p0 $0x0  }
0x12: {  	s1 =	sld [smem:$0x3F98];
	s0 =	simm.s32 @p0 $0x1  }
0x13: {  	[smem:$0x3FB3] =	sst s0;
	s0 =	simm.s32 @!p1 $0x0  }
0x14: {  	s2 =	sld [smem:$0x3F97];
	s0 =	simm.s32 @p1 $0x1  }
0x15: {  	[smem:$0x3FB4] =	sst s0;
	s0 =	simm.s32 @!p2 $0x0  }
0x16: {  	s3 =	sld [smem:$0x3FDB];
	s0 =	simm.s32 @p2 $0x1  }
0x17: {  	s4 =	simm.s32 $0x1BF5;
	[smem:$0x3FB6] =	sst s0  }
0x18: {  	s0 =	sld [smem:$0x3F99];
	_ =	swait.ge [sflag:s4], $0x0  }
0x19: {  	s7 =	sld [smem:$0x3F9A]  }
0x1a: {  	s8 =	sadd.s32 $0xFFFFE003, lr  }
0x1b: {  	s9 =	sadd.s32 $0xFFFFFEF7, lr;
	s5 =	simm.s32 $0xFFFFFFFF;
	p2 =	slt.u32 s8, $0xFFFFF086  }
0x1c: {  	p1 =	slt.u32 s9, $0xF7A;
	s5 =	simm.s32 @!p2 $0x0  }
0x1d: {  	s5 =	simm.s32 @p1 $0x1;
	p0 =	seq.s32 s7, s2  }
0x1e: {  	s7 =	smul.u32 @!p0 $0xF7A, s2;
	p2 =	seq.s32 @!p0 s5, $0x0  }
0x1f: {  	s9 =	smul.u32 $0xF7A, s1;
	s8 =	simm.s32 @!p0 $0x1BF5;
	p2 =	por !p2, p0  }
0x20: {  	[sflag:s8] =	ssyncset.s32 @!p0 $0xFFFFF086;
	s6 =	sadd.s32 @!p0 s3, s7;
	s7 =	simm.s32 @!p0 $0x108  }
0x21: {  	s3 =	sadd.s32 s3, s9;
	s6 =	sadd.s32 @!p0 $0x88, s6;
	s7 =	simm.s32 @p2 $0x1082  }
0x22: {  	[simem:s7], [sflag:s8] =	dma.local @!p0 [hbm:s6], $0xF7A  }
0x23: {  	s9 =	sor.u32 $0xD0000000, s2;
	s6 =	simm.s32 $0x108;
	_ =	swait.ge @!p0 [sflag:s8], $0x0  }
0x24: {  	s3 =	sadd.s32 $0x88, s3;
	s6 =	simm.s32 @!p1 $0x1082;
	[sflag:s4] =	ssyncset.s32 $0xFFFFF086  }
0x25: {  	[simem:s6], [sflag:s4] =	dma.local [hbm:s3], $0xF7A  }
0x26: {  	[smem:$0x3F9A] =	sst s1;
	(tag) =	ssettag s2;
	_ =	strace s9  }
0x27: {  	s1 =	sld [smem:$0x3FAA]  }
0x28: {  	s2 =	sld [smem:$0x3FAB]  }
0x29: {  	s4 =	sld [smem:$0x3FAD]  }
0x2a: {  	p0 =	seq.s32 s5, $0x0;
	s5 =	sld [smem:$0x3FAE]  }
0x2b: {  	s6 =	sld [smem:$0x3FAF]  }
0x2c: {  	s7 =	sld [smem:$0x3FB0]  }
0x2d: {  	s3 =	simm.s32 $0x108;
	s8 =	sld [smem:$0x3FB1]  }
0x2e: {  	s3 =	simm.s32 @!p0 $0x1082;
	s9 =	sld [smem:$0x3FB2]  }
0x2f: {  	lr =	sadd.s32 s0, s3;
	s0 =	sld [smem:$0x3FA9]  }
0x30: {  	s3 =	sld [smem:$0x3FAC]  }
0x31: {  	[smem:$0x3FB5] =	sst s10  }
0x32: {  	s10 =	sld [smem:$0x3FB3];
	_ =	sdelay $0x3  }
0x33: {  	p0 =	seq.s32 s10, $0x1;
	s10 =	sld [smem:$0x3FB5];
	_ =	sdelay $0x3  }
0x34: {  	[smem:$0x3FB5] =	sst s10  }
0x35: {  	s10 =	sld [smem:$0x3FB4];
	_ =	sdelay $0x3  }
0x36: {  	p1 =	seq.s32 s10, $0x1;
	s10 =	sld [smem:$0x3FB5];
	_ =	sdelay $0x3  }
0x37: {  	[smem:$0x3FB5] =	sst s10  }
0x38: {  	s10 =	sld [smem:$0x3FB6]  }
0x39: {  	_ = 	snop;
	(pc) =	sbr.ind lr, $3  }
0x3a: {  	_ = 	snop  }
0x3b: {  	_ = 	snop  }
0x3c: {  	p2 =	seq.s32 s10, $0x1;
	s10 =	sld [smem:$0x3FB5]  }
0x3d: {  	_ =	shalt  }
0x3e: {  	_ =	shalt  }
0x3f: {  	_ =	shalt  }
0x40: {  	_ =	shalt  }
0x41: {  	_ =	shalt  }
0x42: {  	_ =	shalt  }
0x43: {  	_ =	shalt  }
0x44: {  	_ =	shalt  }
0x45: {  	_ =	shalt  }
0x46: {  	_ =	shalt  }
0x47: {  	_ =	shalt  }
0x48: {  	_ =	shalt  }
0x49: {  	_ =	shalt  }
0x4a: {  	_ =	shalt  }
0x4b: {  	_ =	shalt  }
0x4c: {  	_ =	shalt  }
0x4d: {  	_ =	shalt  }
0x4e: {  	_ =	shalt  }
0x4f: {  	_ =	shalt  }
0x50: {  	_ =	shalt  }
0x51: {  	_ =	shalt  }
0x52: {  	_ =	shalt  }
0x53: {  	_ =	shalt  }
0x54: {  	_ =	shalt  }
0x55: {  	_ =	shalt  }
0x56: {  	_ =	shalt  }
0x57: {  	_ =	shalt  }
0x58: {  	_ =	shalt  }
0x59: {  	_ =	shalt  }
0x5a: {  	_ =	shalt  }
0x5b: {  	_ =	shalt  }
0x5c: {  	_ =	shalt  }
0x5d: {  	_ =	shalt  }
0x5e: {  	_ =	shalt  }
0x5f: {  	_ =	shalt  }
0x60: {  	_ =	shalt  }
0x61: {  	_ =	shalt  }
0x62: {  	_ =	shalt  }
0x63: {  	_ =	shalt  }
0x64: {  	_ =	shalt  }
0x65: {  	_ =	shalt  }
0x66: {  	_ =	shalt  }
0x67: {  	_ =	shalt  }
0x68: {  	_ =	shalt  }
0x69: {  	_ =	shalt  }
0x6a: {  	_ =	shalt  }
0x6b: {  	_ =	shalt  }
0x6c: {  	_ =	shalt  }
0x6d: {  	_ =	shalt  }
0x6e: {  	_ =	shalt  }
0x6f: {  	_ =	shalt  }
0x70: {  	_ =	shalt  }
0x71: {  	_ =	shalt  }
0x72: {  	_ =	shalt  }
0x73: {  	_ =	shalt  }
0x74: {  	_ =	shalt  }
0x75: {  	_ =	shalt  }
0x76: {  	_ =	shalt  }
0x77: {  	_ =	shalt  }
0x78: {  	_ =	shalt  }
0x79: {  	_ =	shalt  }
0x7a: {  	_ =	shalt  }
0x7b: {  	_ =	shalt  }
0x7c: {  	_ =	shalt  }
0x7d: {  	_ =	shalt  }
0x7e: {  	_ =	shalt  }
0x7f: {  	_ =	shalt  }
0x80: {  	_ =	shalt  }
0x81: {  	_ =	shalt  }
0x82: {  	_ =	shalt  }
0x83: {  	_ =	shalt  }
0x84: {  	_ =	shalt  }
0x85: {  	_ =	shalt  }
0x86: {  	_ =	shalt  }
0x87: {  	_ =	shalt  }
.Lfunc_end0:
.L_simem_size_0:
called_computation_lowered:
.L_overlay_start_0:
0x88: {  	s2 =	sld [smem:$0x3FD9]  }
0x89: {  	s3 =	sld [smem:$0x3FFE];
	_ =	sdelay $0x1  }
0x8a: {  	s1 =	srdreg.scid  }
0x8b: {  	s0 =	sand.u32 $0x1, s1  }
0x8c: {  	s17 =	sshll.u32 s0, $0xA;
	s2 =	sadd.s32 s3, s2  }
0x8d: {  	s2 =	sadd.s32 s2, s17  }
0x8e: {  	[smem:$0x3FC1] =	sst s2  }
0x8f: {  	_ = 	snop  }
0x90: {  	s2 =	sld [smem:$0x3FC8]  }
0x91: {  	s18 =	sld [smem:$0x3FC7]  }
0x92: {  	s4 =	sld [smem:$0x3FD0];
	(tm) =	ssettm $0x1  }
0x93: {  	s5 =	sld [smem:$0x3FFB];
	_ =	sdelay $0x3  }
0x94: {  	_ =	strace s5  }
0x95: {  	s5 =	sld [smem:$0x3FFC];
	_ =	sdelay $0x3  }
0x96: {  	_ =	strace s5  }
0x97: {  	s5 =	sld [smem:$0x3FFD];
	_ =	sdelay $0x3  }
0x98: {  	_ =	strace s5  }
0x99: {  	_ =	strace $0x8FFFFFFF  }
0x9a: {  	s19 =	sld [smem:$0x3FDB];
	_ =	sdelay $0x1  }
0x9b: {  	s6 =	simm.s32 $_scs_section_size  }
0x9c: {  	s7 =	simm.s32 $_size__tile_overlayer_lowered;
	s8 =	simm.s32 $_tile_overlayer_lowered  }
0x9d: {  	s22 =	simm.s32 $0x1BFF;
	s21 =	sshll.u32 s8, $0x1;
	s5 =	sadd.s32 s6, s19  }
0x9e: {  	s9 =	simm.s32 $0x0;
	s20 =	sshll.u32 s7, $0x1;
	s7 =	sadd.s32 s21, s5  }
0x9f: {  	[timem:s9], [sflag:s22] =	dma.local [hbm:s7], s20  }
0xa0: {  	_ =	swait.ge [sflag:s22], s20  }
0xa1: {  	s6 =	ssub.s32 $0x0, s20;
	[sflag:s22] =	ssyncset.done $0x0  }
0xa2: {  	[sflag:s22] =	ssyncadd.s32 s6;
	_ =	sdelay $0x1  }
0xa3: {  	s23 =	simm.s32 $0x1B8B  }
0xa4: {  	_ =	swait.ge [sflag:s23], $0x1  }
0xa5: {  	[sflag:s23] =	ssyncset.done $0x0  }
0xa6: {  	s25 =	simm.s32 $0x1B8E;
	s24 =	sld [smem:$0x3FFE];
	[sflag:s23] =	ssyncadd.s32 $0xFFFFFFFF  }
0xa7: {  	s26 =	simm.s32 $execute0_lowered;
	[smem:$0x3FD2] =	sst s25  }
0xa8: {  	s7 =	sshll.u32 s26, $0x1;
	_ =	strace $0x80000046;
	[dreg:$0x1] =	wrdreg $0xFFFFFFFF  }
0xa9: {  	s28 =	simm.s32 $_size_execute0_lowered;
	s5 =	sadd.s32 s5, s7;
	[dreg:$0x0] =	wrdreg $0x0  }
0xaa: {  	s7 =	sshll.u32 s28, $0x1;
	[dreg:$0x2] =	wrdreg s5  }
0xab: {  	[dreg:$0x3] =	wrdreg s7  }
0xac: {  	[dreg:$0x4] =	wrdreg $0xC0  }
0xad: {  	_ =	task [dreg:s9], $0x5FFFF  }
0xae: {  	[dreg:$0x1] =	wrdreg $0xFFFFFFFF  }
0xaf: {  	[dreg:$0x0] =	wrdreg $0x60  }
0xb0: {  	[dreg:$0x2] =	wrdreg s24  }
0xb1: {  	[dreg:$0x3] =	wrdreg s4  }
0xb2: {  	[dreg:$0x4] =	wrdreg s2  }
0xb3: {  	[dreg:$0x5] =	wrdreg s18  }
0xb4: {  	[dreg:$0x6] =	wrdreg $0x9  }
0xb5: {  	_ =	task.clear_ibuf [dreg:s9], $0x7FFFF;
	_ =	strace $0x90000046  }
0xb6: {  	s29 =	simm.s32 $0x9;
	_ =	strace $0x80000048  }
0xb7: {  	_ =	swait.ge [sflag:s29], $0x1  }
0xb8: {  	[sflag:s29] =	ssyncadd.s32 $0xFFFFFFFF  }
0xb9: {  	_ =	strace $0x90000048  }
0xba: {  	_ =	sfence  }
0xbb: {  	s30 =	sld [smem:$0x0];
	_ =	sdelay $0x2  }
0xbc: {  	s31 =	sshll.u32 s1, $0xD;
	s1 =	sshrl.u32 s1, $0x2  }
0xbd: {  	s3 =	sand.u32 $0x4000, s31;
	s1 =	sadd.s32 s1, s30  }
0xbe: {  	s0 =	sor.u32 s3, s0;
	s1 =	sshll.u32 s1, $0x11  }
0xbf: {  	s0 =	sor.u32 s1, s0  }
0xc0: {  	s0 =	sadd.s32 $0x8F2B, s0  }
0xc1: {  	[sflag:s0] =	ssyncadd.remote.s32 $0x1  }
0xc2: {  	_ =	sfence.sel $0xFFFF  }
0xc3: {  	[dreg:$0x0] =	wrdreg $0xFFFFFFFF;
	(pc) =	sbr.abs _section_cstart, $3  }
0xc4: {  	[dreg:$0x1] =	wrdreg $0xFFFFFFFF  }
0xc5: {  	_ =	task.clear_ibuf [dreg:s9], $0x2FFFF;
	_ =	strace $0x9FFFFFFF  }
0xc6: {  	(tm) =	ssettm $0x7FFFFFFF  }
0xc7: {  	_ =	shalt  }
tec
execute0_lowered:
.L_overlay_start_1:
0x0: {  	(tag) =	ssettag $0x1  }
0x1: {  	s1 =	srdreg.scid  }
0x2: {  	s12 =	rddreg [dreg:$0x0];
	s0 =	stileid.u32;
	s14 =	sand.u32 $0x1, s1  }
0x3: {  	s7 =	rddreg [dreg:$0x1];
	s31 =	sshll.u32 s0, $0x8;
	s4 =	sshll.u32 s14, $0x7  }
0x4: {  	s2 =	rddreg [dreg:$0x2];
	s13 =	sor.u32 s4, s31  }
0x5: {  	s3 =	rddreg [dreg:$0x3];
	s4 =	simm.s32 $0x0;
	s8 =	sshrl.u32 s13, $0x3  }
0x6: {  	s6 =	simm.s32 $0x4;
	[smem:$0x7FF] =	sst s4;
	s5 =	sadd.s32 s8, s12  }
0x7: {  	s1 =	rddreg [dreg:$0x4];
	_ =	strace $0x80000047;
	s5 =	sadd.s32 $0x2400, s5  }
0x8: {  	[tilespmem:s4], [sflag:$0x4] =	stream.linear.gather [hbm4b:s5+s4], $0x80, $0x38;
	[tilespmem:$0x8100] =	vst v63  }
0x9: {  	_ =	swait.ge [sflag:s6], $0x80  }
0xa: {  	[sflag:s6] =	ssyncset.done $0x0  }
0xb: {  	s7 =	sadd.s32 s7, s8;
	s8 =	simm.s32 $0x80;
	[sflag:s6] =	ssyncadd.s32 $0xFFFFFF80  }
0xc: {  	[tilespmem:s8], [sflag:$0x4] =	stream.linear.gather [hbm4b:s7+s4], $0x80, $0x38;
	[tilespmem:$0x8100] =	vst v63  }
0xd: {  	_ =	swait.ge [sflag:s6], $0x80  }
0xe: {  	[sflag:s6] =	ssyncset.done $0x0  }
0xf: {  	s9 =	simm.s32 $0x100;
	[sflag:s6] =	ssyncadd.s32 $0xFFFFFF80  }
0x10: {  	[tilespmem:s9], [sflag:$0x1] =	stream.indirect.gather [hbm4b:s2+s8], $0x80, s4, s8, $0xb8;
	[tilespmem:$0x8100] =	vst v63  }
0x11: {  	s10 =	simm.s32 $0x4100;
	s11 =	simm.s32 $0x1  }
0x12: {  	[tilespmem:s10], [sflag:$0x2] =	stream.indirect.gather [hbm4b:s3+s8], $0x80, s8, s8, $0xb8;
	[tilespmem:$0x8100] =	vst v63  }
0x13: {  	s16 =	ssub.s32 $0x2, s14;
	s13 =	sshll.u32 s13, $0x4;
	_ =	swait.ge [sflag:s11], $0x4000  }
0x14: {  	s17 =	sshrl.u32 s16, $0x1;
	s15 =	sadd.s32 s13, s12;
	[sflag:s11] =	ssyncset.done $0x0  }
0x15: {  	s13 =	simm.s32 $0x2;
	s12 =	sadd.s32 $0x2600, s15;
	[sflag:s11] =	ssyncadd.s32 $0xFFFFC000  }
0x16: {  	[hbm4b:s12+s4] =	stream.linear.scatter [tilespmem:s9], [sflag:$0x3], $0x4000, $0x38;
	[tilespmem:$0x8100] =	vst v63  }
0x17: {  	s16 =	ssub.s32 s16, s17;
	_ =	swait.ge [sflag:s13], $0x4000  }
0x18: {  	s14 =	simm.s32 $0x3;
	s16 =	smax.u32 s16, $0x1;
	[sflag:s13] =	ssyncset.done $0x0  }
0x19: {  	s15 =	sadd.s32 $0x12600, s15;
	p0 =	sne.s32 s16, $0x1;
	[sflag:s13] =	ssyncadd.s32 $0xFFFFC000  }
0x1a: {  	[hbm4b:s15+s4] =	stream.linear.scatter [tilespmem:s10], [sflag:$0x3], $0x4000, $0x38;
	[tilespmem:$0x8100] =	vst v63  }
.Ltmp0:
0x1b: {  	_ =	swait.ge [sflag:s14], $0x4000;
	(pc) =	sbr.rel @!p0 .LBB2_2-.Ltmp0, $4  }
0x1c: {  	[sflag:s14] =	ssyncset.done $0x0  }
0x1d: {  	[sflag:s14] =	ssyncadd.s32 $0xFFFFC000  }
0x1e: {  	_ =	swait.ge [sflag:s14], $0x4000  }
0x1f: {  	s16 =	sadd.s32 $0xFFFFFFFF, s16;
	[sflag:s14] =	ssyncset.done $0x0  }
.LBB2_1:
0x20: {  	p0 =	sne.s32 s16, $0x1;
	s16 =	sadd.s32 $0xFFFFFFFF, s16;
	[sflag:s14] =	ssyncadd.s32 $0xFFFFC000  }
0x21: {  	[tilespmem:s4], [sflag:$0x4] =	stream.linear.gather [hbm4b:s5+s4], $0x80, $0x38;
	[tilespmem:$0x8100] =	vst v63  }
0x22: {  	_ =	swait.ge [sflag:s6], $0x80  }
0x23: {  	[sflag:s6] =	ssyncset.done $0x0  }
0x24: {  	[sflag:s6] =	ssyncadd.s32 $0xFFFFFF80  }
0x25: {  	[tilespmem:s8], [sflag:$0x4] =	stream.linear.gather [hbm4b:s7+s4], $0x80, $0x38;
	[tilespmem:$0x8100] =	vst v63  }
0x26: {  	_ =	swait.ge [sflag:s6], $0x80  }
0x27: {  	[sflag:s6] =	ssyncset.done $0x0  }
0x28: {  	[sflag:s6] =	ssyncadd.s32 $0xFFFFFF80  }
0x29: {  	[tilespmem:s9], [sflag:$0x1] =	stream.indirect.gather [hbm4b:s2+s8], $0x80, s4, s8, $0xb8;
	[tilespmem:$0x8100] =	vst v63  }
0x2a: {  	_ = 	snop  }
0x2b: {  	[tilespmem:s10], [sflag:$0x2] =	stream.indirect.gather [hbm4b:s3+s8], $0x80, s8, s8, $0xb8;
	[tilespmem:$0x8100] =	vst v63  }
0x2c: {  	_ =	swait.ge [sflag:s11], $0x4000  }
0x2d: {  	[sflag:s11] =	ssyncset.done $0x0  }
0x2e: {  	[sflag:s11] =	ssyncadd.s32 $0xFFFFC000  }
0x2f: {  	[hbm4b:s12+s4] =	stream.linear.scatter [tilespmem:s9], [sflag:$0x3], $0x4000, $0x38;
	[tilespmem:$0x8100] =	vst v63  }
0x30: {  	_ =	swait.ge [sflag:s13], $0x4000  }
0x31: {  	[sflag:s13] =	ssyncset.done $0x0  }
0x32: {  	[sflag:s13] =	ssyncadd.s32 $0xFFFFC000  }
0x33: {  	[hbm4b:s15+s4] =	stream.linear.scatter [tilespmem:s10], [sflag:$0x3], $0x4000, $0x38;
	[tilespmem:$0x8100] =	vst v63  }
.Ltmp1:
0x34: {  	_ =	swait.ge [sflag:s14], $0x4000;
	(pc) =	sbr.rel @p0 .LBB2_1-.Ltmp1, $4  }
0x35: {  	[sflag:s14] =	ssyncset.done $0x0  }
0x36: {  	[sflag:s14] =	ssyncadd.s32 $0xFFFFC000  }
0x37: {  	_ =	swait.ge [sflag:s14], $0x4000  }
0x38: {  	[sflag:s14] =	ssyncset.done $0x0  }
.LBB2_2:
0x39: {  	[sflag:s14] =	ssyncadd.s32 $0xFFFFC000  }
0x3a: {  	_ =	sfence.sel $0x180000  }
0x3b: {  	[bflag:$0x0] =	sbarrier.arrive $0xFFFF  }
0x3c: {  	p0 =	sne.s32 s0, $0x0;
	_ =	strace $0x90000047  }
0x3d: {  	s0 =	sadd.s32 @!p0 $0x100000, s1;
	[bflag:$0x2] =	sbarrier.arrive $0xFFFF  }
0x3e: {  	[sflag:s0] =	ssyncadd.tile.s32 @!p0 $0x1;
	_ =	shalt  }
.Lfunc_end2:
_tile_overlayer_lowered:
.L_overlay_start_2:
0x3f: {  	(tag) =	ssettag $0x2  }
0x40: {  	s0 =	rddreg [dreg:$0x0];
	s2 =	stileid.u32  }
0x41: {  	s1 =	rddreg [dreg:$0x1];
	p0 =	sne.s32 s2, $0x0  }
0x42: {  	s3 =	rddreg [dreg:$0x2];
	[bflag:$0x3] =	sbarrier.arrive $0xFFFF;
	s2 =	simm.s32 @!p0 $0x1C04  }
0x43: {  	[timem:s3], [sflag:s2] =	dma.local @!p0 [hbm:s0], s1  }
0x44: {  	s0 =	simm.s32 @!p0 $0x4  }
0x45: {  	_ =	swait.ge @!p0 [sflag:s0], s1  }
0x46: {  	s1 =	ssub.s32 @!p0 $0x0, s1;
	[sflag:s0] =	ssyncset.done @!p0 $0x0  }
0x47: {  	[sflag:s0] =	ssyncadd.s32 @!p0 s1  }
0x48: {  	[bflag:$0x3] =	sbarrier.arrive $0xFFFF  }
0x49: {  	_ =	shalt  }

// kernel: kernel.9.cloned.1.call-start
scs
__scs_entry_jumppad:
0x0: {  	(pc) =	sbr.rel $0x88, $3  }
0x1: {  	(tag) =	ssettag $0x0;
	lr =	simm.s32 $0x1  }
0x2: {  	[smem:$0x3F9A] =	sst lr;
	_ =	strace $0xD0000000  }
0x3: {  	_ = 	snop  }
0x4: {  	_ = 	snop  }
0x5: {  	_ = 	snop  }
0x6: {  	_ = 	snop  }
0x7: {  	_ = 	snop  }
__scs_overlays_trampoline_lowered:
0x8: {  	[smem:$0x3FA9] =	sst s0  }
0x9: {  	[smem:$0x3FAA] =	sst s1  }
0xa: {  	[smem:$0x3FAB] =	sst s2  }
0xb: {  	[smem:$0x3FAC] =	sst s3  }
0xc: {  	[smem:$0x3FAD] =	sst s4  }
0xd: {  	[smem:$0x3FAE] =	sst s5  }
0xe: {  	[smem:$0x3FAF] =	sst s6  }
0xf: {  	[smem:$0x3FB0] =	sst s7  }
0x10: {  	[smem:$0x3FB1] =	sst s8  }
0x11: {  	[smem:$0x3FB2] =	sst s9;
	s0 =	simm.s32 @!p0 $0x0  }
0x12: {  	s1 =	sld [smem:$0x3F98];
	s0 =	simm.s32 @p0 $0x1  }
0x13: {  	[smem:$0x3FB3] =	sst s0;
	s0 =	simm.s32 @!p1 $0x0  }
0x14: {  	s2 =	sld [smem:$0x3F97];
	s0 =	simm.s32 @p1 $0x1  }
0x15: {  	[smem:$0x3FB4] =	sst s0;
	s0 =	simm.s32 @!p2 $0x0  }
0x16: {  	s3 =	sld [smem:$0x3FDB];
	s0 =	simm.s32 @p2 $0x1  }
0x17: {  	s4 =	simm.s32 $0x1BF5;
	[smem:$0x3FB6] =	sst s0  }
0x18: {  	s0 =	sld [smem:$0x3F99];
	_ =	swait.ge [sflag:s4], $0x0  }
0x19: {  	s7 =	sld [smem:$0x3F9A]  }
0x1a: {  	s8 =	sadd.s32 $0xFFFFE003, lr  }
0x1b: {  	s9 =	sadd.s32 $0xFFFFFEF7, lr;
	s5 =	simm.s32 $0xFFFFFFFF;
	p2 =	slt.u32 s8, $0xFFFFF086  }
0x1c: {  	p1 =	slt.u32 s9, $0xF7A;
	s5 =	simm.s32 @!p2 $0x0  }
0x1d: {  	s5 =	simm.s32 @p1 $0x1;
	p0 =	seq.s32 s7, s2  }
0x1e: {  	s7 =	smul.u32 @!p0 $0xF7A, s2;
	p2 =	seq.s32 @!p0 s5, $0x0  }
0x1f: {  	s9 =	smul.u32 $0xF7A, s1;
	s8 =	simm.s32 @!p0 $0x1BF5;
	p2 =	por !p2, p0  }
0x20: {  	[sflag:s8] =	ssyncset.s32 @!p0 $0xFFFFF086;
	s6 =	sadd.s32 @!p0 s3, s7;
	s7 =	simm.s32 @!p0 $0x108  }
0x21: {  	s3 =	sadd.s32 s3, s9;
	s6 =	sadd.s32 @!p0 $0x88, s6;
	s7 =	simm.s32 @p2 $0x1082  }
0x22: {  	[simem:s7], [sflag:s8] =	dma.local @!p0 [hbm:s6], $0xF7A  }
0x23: {  	s9 =	sor.u32 $0xD0000000, s2;
	s6 =	simm.s32 $0x108;
	_ =	swait.ge @!p0 [sflag:s8], $0x0  }
0x24: {  	s3 =	sadd.s32 $0x88, s3;
	s6 =	simm.s32 @!p1 $0x1082;
	[sflag:s4] =	ssyncset.s32 $0xFFFFF086  }
0x25: {  	[simem:s6], [sflag:s4] =	dma.local [hbm:s3], $0xF7A  }
0x26: {  	[smem:$0x3F9A] =	sst s1;
	(tag) =	ssettag s2;
	_ =	strace s9  }
0x27: {  	s1 =	sld [smem:$0x3FAA]  }
0x28: {  	s2 =	sld [smem:$0x3FAB]  }
0x29: {  	s4 =	sld [smem:$0x3FAD]  }
0x2a: {  	p0 =	seq.s32 s5, $0x0;
	s5 =	sld [smem:$0x3FAE]  }
0x2b: {  	s6 =	sld [smem:$0x3FAF]  }
0x2c: {  	s7 =	sld [smem:$0x3FB0]  }
0x2d: {  	s3 =	simm.s32 $0x108;
	s8 =	sld [smem:$0x3FB1]  }
0x2e: {  	s3 =	simm.s32 @!p0 $0x1082;
	s9 =	sld [smem:$0x3FB2]  }
0x2f: {  	lr =	sadd.s32 s0, s3;
	s0 =	sld [smem:$0x3FA9]  }
0x30: {  	s3 =	sld [smem:$0x3FAC]  }
0x31: {  	[smem:$0x3FB5] =	sst s10  }
0x32: {  	s10 =	sld [smem:$0x3FB3];
	_ =	sdelay $0x3  }
0x33: {  	p0 =	seq.s32 s10, $0x1;
	s10 =	sld [smem:$0x3FB5];
	_ =	sdelay $0x3  }
0x34: {  	[smem:$0x3FB5] =	sst s10  }
0x35: {  	s10 =	sld [smem:$0x3FB4];
	_ =	sdelay $0x3  }
0x36: {  	p1 =	seq.s32 s10, $0x1;
	s10 =	sld [smem:$0x3FB5];
	_ =	sdelay $0x3  }
0x37: {  	[smem:$0x3FB5] =	sst s10  }
0x38: {  	s10 =	sld [smem:$0x3FB6]  }
0x39: {  	_ = 	snop;
	(pc) =	sbr.ind lr, $3  }
0x3a: {  	_ = 	snop  }
0x3b: {  	_ = 	snop  }
0x3c: {  	p2 =	seq.s32 s10, $0x1;
	s10 =	sld [smem:$0x3FB5]  }
0x3d: {  	_ =	shalt  }
0x3e: {  	_ =	shalt  }
0x3f: {  	_ =	shalt  }
0x40: {  	_ =	shalt  }
0x41: {  	_ =	shalt  }
0x42: {  	_ =	shalt  }
0x43: {  	_ =	shalt  }
0x44: {  	_ =	shalt  }
0x45: {  	_ =	shalt  }
0x46: {  	_ =	shalt  }
0x47: {  	_ =	shalt  }
0x48: {  	_ =	shalt  }
0x49: {  	_ =	shalt  }
0x4a: {  	_ =	shalt  }
0x4b: {  	_ =	shalt  }
0x4c: {  	_ =	shalt  }
0x4d: {  	_ =	shalt  }
0x4e: {  	_ =	shalt  }
0x4f: {  	_ =	shalt  }
0x50: {  	_ =	shalt  }
0x51: {  	_ =	shalt  }
0x52: {  	_ =	shalt  }
0x53: {  	_ =	shalt  }
0x54: {  	_ =	shalt  }
0x55: {  	_ =	shalt  }
0x56: {  	_ =	shalt  }
0x57: {  	_ =	shalt  }
0x58: {  	_ =	shalt  }
0x59: {  	_ =	shalt  }
0x5a: {  	_ =	shalt  }
0x5b: {  	_ =	shalt  }
0x5c: {  	_ =	shalt  }
0x5d: {  	_ =	shalt  }
0x5e: {  	_ =	shalt  }
0x5f: {  	_ =	shalt  }
0x60: {  	_ =	shalt  }
0x61: {  	_ =	shalt  }
0x62: {  	_ =	shalt  }
0x63: {  	_ =	shalt  }
0x64: {  	_ =	shalt  }
0x65: {  	_ =	shalt  }
0x66: {  	_ =	shalt  }
0x67: {  	_ =	shalt  }
0x68: {  	_ =	shalt  }
0x69: {  	_ =	shalt  }
0x6a: {  	_ =	shalt  }
0x6b: {  	_ =	shalt  }
0x6c: {  	_ =	shalt  }
0x6d: {  	_ =	shalt  }
0x6e: {  	_ =	shalt  }
0x6f: {  	_ =	shalt  }
0x70: {  	_ =	shalt  }
0x71: {  	_ =	shalt  }
0x72: {  	_ =	shalt  }
0x73: {  	_ =	shalt  }
0x74: {  	_ =	shalt  }
0x75: {  	_ =	shalt  }
0x76: {  	_ =	shalt  }
0x77: {  	_ =	shalt  }
0x78: {  	_ =	shalt  }
0x79: {  	_ =	shalt  }
0x7a: {  	_ =	shalt  }
0x7b: {  	_ =	shalt  }
0x7c: {  	_ =	shalt  }
0x7d: {  	_ =	shalt  }
0x7e: {  	_ =	shalt  }
0x7f: {  	_ =	shalt  }
0x80: {  	_ =	shalt  }
0x81: {  	_ =	shalt  }
0x82: {  	_ =	shalt  }
0x83: {  	_ =	shalt  }
0x84: {  	_ =	shalt  }
0x85: {  	_ =	shalt  }
0x86: {  	_ =	shalt  }
0x87: {  	_ =	shalt  }
.Lfunc_end0:
.L_simem_size_0:
called_computation.1_lowered:
.L_overlay_start_0:
0x88: {  	s2 =	sld [smem:$0x3FD9]  }
0x89: {  	s3 =	sld [smem:$0x3FFE];
	_ =	sdelay $0x1  }
0x8a: {  	s1 =	srdreg.scid  }
0x8b: {  	s0 =	sand.u32 $0x1, s1  }
0x8c: {  	s17 =	sshll.u32 s0, $0xA;
	s2 =	sadd.s32 s3, s2  }
0x8d: {  	s2 =	sadd.s32 s2, s17  }
0x8e: {  	[smem:$0x3FC1] =	sst s2  }
0x8f: {  	_ = 	snop  }
0x90: {  	s18 =	sld [smem:$0x3FC8]  }
0x91: {  	s4 =	sld [smem:$0x3FC7];
	(tm) =	ssettm $0x1  }
0x92: {  	s19 =	sld [smem:$0x3FFB];
	_ =	sdelay $0x3  }
0x93: {  	_ =	strace s19  }
0x94: {  	s2 =	sld [smem:$0x3FFC];
	_ =	sdelay $0x3  }
0x95: {  	_ =	strace s2  }
0x96: {  	s2 =	sld [smem:$0x3FFD];
	_ =	sdelay $0x3  }
0x97: {  	_ =	strace s2  }
0x98: {  	_ =	strace $0x8FFFFFFF  }
0x99: {  	s20 =	sld [smem:$0x3FDB];
	_ =	sdelay $0x1  }
0x9a: {  	s5 =	simm.s32 $_scs_section_size  }
0x9b: {  	s6 =	simm.s32 $_size__tile_overlayer_lowered;
	s7 =	simm.s32 $_tile_overlayer_lowered  }
0x9c: {  	s8 =	simm.s32 $0x1BFF;
	s21 =	sshll.u32 s7, $0x1;
	s5 =	sadd.s32 s5, s20  }
0x9d: {  	s22 =	simm.s32 $0x0;
	s6 =	sshll.u32 s6, $0x1;
	s7 =	sadd.s32 s21, s5  }
0x9e: {  	[timem:s22], [sflag:s8] =	dma.local [hbm:s7], s6  }
0x9f: {  	_ =	swait.ge [sflag:s8], s6  }
0xa0: {  	s6 =	ssub.s32 $0x0, s6;
	[sflag:s8] =	ssyncset.done $0x0  }
0xa1: {  	[sflag:s8] =	ssyncadd.s32 s6;
	_ =	sdelay $0x1  }
0xa2: {  	s23 =	simm.s32 $0x1B8B  }
0xa3: {  	_ =	swait.ge [sflag:s23], $0x1  }
0xa4: {  	[sflag:s23] =	ssyncset.done $0x0  }
0xa5: {  	[sflag:s23] =	ssyncadd.s32 $0xFFFFFFFF  }
0xa6: {  	s6 =	sld [smem:$0x0]  }
0xa7: {  	s7 =	sand.u32 $0xFFFFFFFE, s1  }
0xa8: {  	p0 =	sne.s32 s1, s7  }
0xa9: {  	s7 =	sshll.u32 @p0 s7, $0xE  }
0xaa: {  	s7 =	sadd.s32 @p0 $0x11B8D, s7;
	s8 =	sshll.u32 @p0 s6, $0x11  }
0xab: {  	s7 =	sor.u32 @p0 s8, s7  }
0xac: {  	[sflag:s7] =	ssyncadd.remote.s32 @p0 $0x1;
	_ =	sdelay $0x1  }
0xad: {  	s7 =	simm.s32 @p0 $0x1B8D  }
0xae: {  	_ =	swait.eq @p0 [sflag:s7], $0x1  }
0xaf: {  	[sflag:s7] =	ssyncadd.s32 @p0 $0xFFFFFFFF  }
0xb0: {  	s8 =	sshll.u32 @!p0 s1, $0xE  }
0xb1: {  	s8 =	sor.u32 @!p0 $0x4000, s8;
	s7 =	simm.s32 @!p0 $0x1B8D  }
0xb2: {  	s6 =	sshll.u32 @!p0 s6, $0x11;
	s8 =	sadd.s32 @!p0 $0x11B8D, s8;
	_ =	swait.eq @!p0 [sflag:s7], $0x1  }
0xb3: {  	s6 =	sor.u32 @!p0 s6, s8;
	[sflag:s7] =	ssyncadd.s32 @!p0 $0xFFFFFFFF  }
0xb4: {  	s25 =	simm.s32 $0x1B8E;
	s24 =	sld [smem:$0x3FFE];
	[sflag:s6] =	ssyncadd.remote.s32 @!p0 $0x1  }
0xb5: {  	s26 =	simm.s32 $execute0_lowered;
	[smem:$0x3FD2] =	sst s25  }
0xb6: {  	s7 =	sshll.u32 s26, $0x1;
	_ =	strace $0x80000049;
	[dreg:$0x1] =	wrdreg $0xFFFFFFFF  }
0xb7: {  	s28 =	simm.s32 $_size_execute0_lowered;
	s5 =	sadd.s32 s5, s7;
	[dreg:$0x0] =	wrdreg $0x0  }
0xb8: {  	s7 =	sshll.u32 s28, $0x1;
	[dreg:$0x2] =	wrdreg s5  }
0xb9: {  	[dreg:$0x3] =	wrdreg s7  }
0xba: {  	[dreg:$0x4] =	wrdreg $0xC0  }
0xbb: {  	_ =	task [dreg:s22], $0x5FFFF  }
0xbc: {  	[dreg:$0x1] =	wrdreg $0xFFFFFFFF  }
0xbd: {  	[dreg:$0x0] =	wrdreg $0x60  }
0xbe: {  	[dreg:$0x2] =	wrdreg s24  }
0xbf: {  	[dreg:$0x3] =	wrdreg s18  }
0xc0: {  	[dreg:$0x4] =	wrdreg s4  }
0xc1: {  	[dreg:$0x5] =	wrdreg $0xA  }
0xc2: {  	_ =	task.clear_ibuf [dreg:s22], $0x6FFFF;
	_ =	strace $0x90000049  }
0xc3: {  	s29 =	simm.s32 $0xA;
	_ =	strace $0x8000004B  }
0xc4: {  	_ =	swait.ge [sflag:s29], $0x1  }
0xc5: {  	[sflag:s29] =	ssyncadd.s32 $0xFFFFFFFF  }
0xc6: {  	_ =	strace $0x9000004B  }
0xc7: {  	_ =	sfence  }
0xc8: {  	s30 =	sld [smem:$0x0];
	_ =	sdelay $0x2  }
0xc9: {  	s31 =	sshll.u32 s1, $0xD;
	s1 =	sshrl.u32 s1, $0x2  }
0xca: {  	s4 =	sand.u32 $0x4000, s31;
	s1 =	sadd.s32 s1, s30  }
0xcb: {  	s0 =	sor.u32 s4, s0;
	s1 =	sshll.u32 s1, $0x11  }
0xcc: {  	s0 =	sor.u32 s1, s0  }
0xcd: {  	s0 =	sadd.s32 $0x8F2B, s0  }
0xce: {  	[sflag:s0] =	ssyncadd.remote.s32 $0x1  }
0xcf: {  	_ =	sfence.sel $0xFFFF  }
0xd0: {  	[dreg:$0x0] =	wrdreg $0xFFFFFFFF;
	(pc) =	sbr.abs _section_cstart, $3  }
0xd1: {  	[dreg:$0x1] =	wrdreg $0xFFFFFFFF  }
0xd2: {  	_ =	task.clear_ibuf [dreg:s22], $0x2FFFF;
	_ =	strace $0x9FFFFFFF  }
0xd3: {  	(tm) =	ssettm $0x7FFFFFFF  }
tec
execute0_lowered:
.L_overlay_start_1:
0x0: {  	(tag) =	ssettag $0x1  }
0x1: {  	s1 =	srdreg.scid;
	s0 =	stileid.u32  }
0x2: {  	s22 =	sand.u32 $0x1, s1;
	s31 =	sshll.u32 s0, $0x1  }
0x3: {  	s20 =	rddreg [dreg:$0x0];
	s21 =	sor.u32 s22, s31  }
0x4: {  	s2 =	rddreg [dreg:$0x1];
	s5 =	smul.u32 $0x30, s21  }
0x5: {  	s3 =	rddreg [dreg:$0x2];
	s4 =	simm.s32 $0x0  }
0x6: {  	s6 =	simm.s32 $0x4;
	[smem:$0x7FF] =	sst s4;
	s7 =	sadd.s32 s5, s20  }
0x7: {  	s1 =	rddreg [dreg:$0x3];
	_ =	strace $0x8000004A;
	s5 =	sadd.s32 $0x22C00, s7  }
0x8: {  	[tilespmem:s4], [sflag:$0x4] =	stream.linear.gather [hbm4b:s5+s4], $0x180, $0x38;
	[tilespmem:$0x18300] =	vst v63  }
0x9: {  	_ =	swait.ge [sflag:s6], $0x180  }
0xa: {  	[sflag:s6] =	ssyncset.done $0x0  }
0xb: {  	s8 =	simm.s32 $0x180;
	s7 =	sadd.s32 $0x22600, s7;
	[sflag:s6] =	ssyncadd.s32 $0xFFFFFE80  }
0xc: {  	[tilespmem:s8], [sflag:$0x4] =	stream.linear.gather [hbm4b:s7+s4], $0x180, $0x38;
	[tilespmem:$0x18300] =	vst v63  }
0xd: {  	_ =	swait.ge [sflag:s6], $0x180  }
0xe: {  	[sflag:s6] =	ssyncset.done $0x0  }
0xf: {  	s9 =	simm.s32 $0x80;
	s10 =	simm.s32 $0x300;
	[sflag:s6] =	ssyncadd.s32 $0xFFFFFE80  }
0x10: {  	[tilespmem:s10], [sflag:$0x1] =	stream.indirect.gather [hbm4b:s2+s9], $0x80, s4, s9, $0xb8;
	[tilespmem:$0x18300] =	vst v63  }
0x11: {  	s11 =	simm.s32 $0x4300  }
0x12: {  	[tilespmem:s11], [sflag:$0x1] =	stream.indirect.gather [hbm4b:s2+s9], $0x80, s9, s9, $0xb8;
	[tilespmem:$0x18300] =	vst v63  }
0x13: {  	s12 =	simm.s32 $0x100;
	s13 =	simm.s32 $0x8300  }
0x14: {  	[tilespmem:s13], [sflag:$0x1] =	stream.indirect.gather [hbm4b:s2+s9], $0x80, s12, s9, $0xb8;
	[tilespmem:$0x18300] =	vst v63  }
0x15: {  	s14 =	simm.s32 $0xC300  }
0x16: {  	[tilespmem:s14], [sflag:$0x2] =	stream.indirect.gather [hbm4b:s3+s9], $0x80, s8, s9, $0xb8;
	[tilespmem:$0x18300] =	vst v63  }
0x17: {  	s15 =	simm.s32 $0x200;
	s16 =	simm.s32 $0x10300  }
0x18: {  	[tilespmem:s16], [sflag:$0x2] =	stream.indirect.gather [hbm4b:s3+s9], $0x80, s15, s9, $0xb8;
	[tilespmem:$0x18300] =	vst v63  }
0x19: {  	s17 =	simm.s32 $0x280;
	s18 =	simm.s32 $0x14300;
	s19 =	simm.s32 $0x1  }
0x1a: {  	[tilespmem:s18], [sflag:$0x2] =	stream.indirect.gather [hbm4b:s3+s9], $0x80, s17, s9, $0xb8;
	[tilespmem:$0x18300] =	vst v63  }
0x1b: {  	_ =	swait.ge [sflag:s19], $0x4000  }
0x1c: {  	[sflag:s19] =	ssyncset.done $0x0  }
0x1d: {  	[sflag:s19] =	ssyncadd.s32 $0xFFFFC000  }
0x1e: {  	_ =	swait.ge [sflag:s19], $0x4000  }
0x1f: {  	[sflag:s19] =	ssyncset.done $0x0  }
0x20: {  	s21 =	smul.u32 $0x1800, s21;
	[sflag:s19] =	ssyncadd.s32 $0xFFFFC000  }
0x21: {  	_ =	swait.ge [sflag:s19], $0x4000  }
0x22: {  	s23 =	sadd.s32 s21, s20;
	[sflag:s19] =	ssyncset.done $0x0  }
0x23: {  	s21 =	simm.s32 $0x2;
	s20 =	sadd.s32 $0x23200, s23;
	[sflag:s19] =	ssyncadd.s32 $0xFFFFC000  }
0x24: {  	[hbm4b:s20+s4] =	stream.linear.scatter [tilespmem:s10], [sflag:$0x3], $0xC000, $0x38;
	[tilespmem:$0x18300] =	vst v63  }
0x25: {  	_ =	swait.ge [sflag:s21], $0x4000  }
0x26: {  	[sflag:s21] =	ssyncset.done $0x0  }
0x27: {  	[sflag:s21] =	ssyncadd.s32 $0xFFFFC000  }
0x28: {  	_ =	swait.ge [sflag:s21], $0x4000  }
0x29: {  	s24 =	ssub.s32 $0x2, s22;
	[sflag:s21] =	ssyncset.done $0x0  }
0x2a: {  	s25 =	sshrl.u32 s24, $0x1;
	[sflag:s21] =	ssyncadd.s32 $0xFFFFC000  }
0x2b: {  	s24 =	ssub.s32 s24, s25;
	_ =	swait.ge [sflag:s21], $0x4000  }
0x2c: {  	s22 =	simm.s32 $0x3;
	s24 =	smax.u32 s24, $0x1;
	[sflag:s21] =	ssyncset.done $0x0  }
0x2d: {  	s23 =	sadd.s32 $0x53200, s23;
	p0 =	sne.s32 s24, $0x1;
	[sflag:s21] =	ssyncadd.s32 $0xFFFFC000  }
0x2e: {  	[hbm4b:s23+s4] =	stream.linear.scatter [tilespmem:s14], [sflag:$0x3], $0xC000, $0x38;
	[tilespmem:$0x18300] =	vst v63  }
.Ltmp0:
0x2f: {  	_ =	swait.ge [sflag:s22], $0xC000;
	(pc) =	sbr.rel @!p0 .LBB2_2-.Ltmp0, $4  }
0x30: {  	[sflag:s22] =	ssyncset.done $0x0  }
0x31: {  	[sflag:s22] =	ssyncadd.s32 $0xFFFF4000  }
0x32: {  	_ =	swait.ge [sflag:s22], $0xC000  }
0x33: {  	s24 =	sadd.s32 $0xFFFFFFFF, s24;
	[sflag:s22] =	ssyncset.done $0x0  }
.LBB2_1:
0x34: {  	p0 =	sne.s32 s24, $0x1;
	s24 =	sadd.s32 $0xFFFFFFFF, s24;
	[sflag:s22] =	ssyncadd.s32 $0xFFFF4000  }
0x35: {  	[tilespmem:s4], [sflag:$0x4] =	stream.linear.gather [hbm4b:s5+s4], $0x180, $0x38;
	[tilespmem:$0x18300] =	vst v63  }
0x36: {  	_ =	swait.ge [sflag:s6], $0x180  }
0x37: {  	[sflag:s6] =	ssyncset.done $0x0  }
0x38: {  	[sflag:s6] =	ssyncadd.s32 $0xFFFFFE80  }
0x39: {  	[tilespmem:s8], [sflag:$0x4] =	stream.linear.gather [hbm4b:s7+s4], $0x180, $0x38;
	[tilespmem:$0x18300] =	vst v63  }
0x3a: {  	_ =	swait.ge [sflag:s6], $0x180  }
0x3b: {  	[sflag:s6] =	ssyncset.done $0x0  }
0x3c: {  	[sflag:s6] =	ssyncadd.s32 $0xFFFFFE80  }
0x3d: {  	[tilespmem:s10], [sflag:$0x1] =	stream.indirect.gather [hbm4b:s2+s9], $0x80, s4, s9, $0xb8;
	[tilespmem:$0x18300] =	vst v63  }
0x3e: {  	_ = 	snop  }
0x3f: {  	[tilespmem:s11], [sflag:$0x1] =	stream.indirect.gather [hbm4b:s2+s9], $0x80, s9, s9, $0xb8;
	[tilespmem:$0x18300] =	vst v63  }
0x40: {  	_ = 	snop  }
0x41: {  	[tilespmem:s13], [sflag:$0x1] =	stream.indirect.gather [hbm4b:s2+s9], $0x80, s12, s9, $0xb8;
	[tilespmem:$0x18300] =	vst v63  }
0x42: {  	_ = 	snop  }
0x43: {  	[tilespmem:s14], [sflag:$0x2] =	stream.indirect.gather [hbm4b:s3+s9], $0x80, s8, s9, $0xb8;
	[tilespmem:$0x18300] =	vst v63  }
0x44: {  	_ = 	snop  }
0x45: {  	[tilespmem:s16], [sflag:$0x2] =	stream.indirect.gather [hbm4b:s3+s9], $0x80, s15, s9, $0xb8;
	[tilespmem:$0x18300] =	vst v63  }
0x46: {  	_ = 	snop  }
0x47: {  	[tilespmem:s18], [sflag:$0x2] =	stream.indirect.gather [hbm4b:s3+s9], $0x80, s17, s9, $0xb8;
	[tilespmem:$0x18300] =	vst v63  }
0x48: {  	_ =	swait.ge [sflag:s19], $0x4000  }
0x49: {  	[sflag:s19] =	ssyncset.done $0x0  }
0x4a: {  	[sflag:s19] =	ssyncadd.s32 $0xFFFFC000  }
0x4b: {  	_ =	swait.ge [sflag:s19], $0x4000  }
0x4c: {  	[sflag:s19] =	ssyncset.done $0x0  }
0x4d: {  	[sflag:s19] =	ssyncadd.s32 $0xFFFFC000  }
0x4e: {  	_ =	swait.ge [sflag:s19], $0x4000  }
0x4f: {  	[sflag:s19] =	ssyncset.done $0x0  }
0x50: {  	[sflag:s19] =	ssyncadd.s32 $0xFFFFC000  }
0x51: {  	[hbm4b:s20+s4] =	stream.linear.scatter [tilespmem:s10], [sflag:$0x3], $0xC000, $0x38;
	[tilespmem:$0x18300] =	vst v63  }
0x52: {  	_ =	swait.ge [sflag:s21], $0x4000  }
0x53: {  	[sflag:s21] =	ssyncset.done $0x0  }
0x54: {  	[sflag:s21] =	ssyncadd.s32 $0xFFFFC000  }
0x55: {  	_ =	swait.ge [sflag:s21], $0x4000  }
0x56: {  	[sflag:s21] =	ssyncset.done $0x0  }
0x57: {  	[sflag:s21] =	ssyncadd.s32 $0xFFFFC000  }
0x58: {  	_ =	swait.ge [sflag:s21], $0x4000  }
0x59: {  	[sflag:s21] =	ssyncset.done $0x0  }
0x5a: {  	[sflag:s21] =	ssyncadd.s32 $0xFFFFC000  }
0x5b: {  	[hbm4b:s23+s4] =	stream.linear.scatter [tilespmem:s14], [sflag:$0x3], $0xC000, $0x38;
	[tilespmem:$0x18300] =	vst v63  }
.Ltmp1:
0x5c: {  	_ =	swait.ge [sflag:s22], $0xC000;
	(pc) =	sbr.rel @p0 .LBB2_1-.Ltmp1, $4  }
0x5d: {  	[sflag:s22] =	ssyncset.done $0x0  }
0x5e: {  	[sflag:s22] =	ssyncadd.s32 $0xFFFF4000  }
0x5f: {  	_ =	swait.ge [sflag:s22], $0xC000  }
0x60: {  	[sflag:s22] =	ssyncset.done $0x0  }
.LBB2_2:
0x61: {  	[sflag:s22] =	ssyncadd.s32 $0xFFFF4000  }
0x62: {  	_ =	sfence.sel $0x180000  }
0x63: {  	[bflag:$0x0] =	sbarrier.arrive $0xFFFF  }
0x64: {  	p0 =	sne.s32 s0, $0x0;
	_ =	strace $0x9000004A  }
0x65: {  	s0 =	sadd.s32 @!p0 $0x100000, s1;
	[bflag:$0x2] =	sbarrier.arrive $0xFFFF  }
0x66: {  	[sflag:s0] =	ssyncadd.tile.s32 @!p0 $0x1;
	_ =	shalt  }
.Lfunc_end2:
_tile_overlayer_lowered:
.L_overlay_start_2:
0x67: {  	(tag) =	ssettag $0x2  }
0x68: {  	s0 =	rddreg [dreg:$0x0];
	s2 =	stileid.u32  }
0x69: {  	s1 =	rddreg [dreg:$0x1];
	p0 =	sne.s32 s2, $0x0  }
0x6a: {  	s3 =	rddreg [dreg:$0x2];
	[bflag:$0x3] =	sbarrier.arrive $0xFFFF;
	s2 =	simm.s32 @!p0 $0x1C04  }
0x6b: {  	[timem:s3], [sflag:s2] =	dma.local @!p0 [hbm:s0], s1  }
0x6c: {  	s0 =	simm.s32 @!p0 $0x4  }
0x6d: {  	_ =	swait.ge @!p0 [sflag:s0], s1  }
0x6e: {  	s1 =	ssub.s32 @!p0 $0x0, s1;
	[sflag:s0] =	ssyncset.done @!p0 $0x0  }
0x6f: {  	[sflag:s0] =	ssyncadd.s32 @!p0 s1  }
0x70: {  	[bflag:$0x3] =	sbarrier.arrive $0xFFFF  }
0x71: {  	_ =	shalt  }

</sc_bundles>
